<compile_context>
chip_gen: v7x
topology: tpu7x:2x2x1
jax: 0.10.2.dev20260603
libtpu: 0.0.44.dev20260713+nightly
codegen_flags: <defaults>
</compile_context>

<pallas_src>
import functools

import jax
import jax.numpy as jnp
from jax import lax
from jax.experimental import pallas as pl
from jax.experimental.pallas import tpu as pltpu
from jax.experimental.pallas import tpu_sc as plsc

E = 8
H = 1024
FF = 1408
SFF = 2816
T = 2048
TILE_M = 256
M_T = T // TILE_M
G_TILES = 24
P_MAX = G_TILES * TILE_M
NW = 32
TPW = T // NW


def _pack_bf16(x_bf16):
    n = x_bf16.shape[1] // 2
    lo = lax.bitcast_convert_type(x_bf16[:, :n], jnp.uint16).astype(jnp.int32)
    hi = lax.bitcast_convert_type(x_bf16[:, n:], jnp.uint16).astype(jnp.int32)
    return lo | lax.shift_left(hi, 16)


def _unpack_bf16(p_i32):
    lo = lax.bitcast_convert_type(
        (p_i32 & 0xFFFF).astype(jnp.uint16), jnp.bfloat16)
    hi = lax.bitcast_convert_type(
        lax.shift_right_logical(p_i32, 16).astype(jnp.uint16), jnp.bfloat16)
    return jnp.concatenate([lo, hi], axis=1)



def _router_kernel(x_ref, gw_ref, sg_ref,
                   pos0_ref, pos1_ref, wcomb_ref, tile_e_ref, xpk_ref,
                   cnt_ref, sel1_ref, sel2_ref):
    p = pl.program_id(0)
    m = pl.program_id(1)
    msl = pl.ds(m * TILE_M, TILE_M)

    @pl.when(p == 0)
    def _count_pass():
        xf = x_ref[...]
        xpk_ref[...] = _pack_bf16(xf.astype(jnp.bfloat16))
        logits = jnp.dot(xf, gw_ref[...].T,
                         preferred_element_type=jnp.float32)
        prob = jax.nn.softmax(logits, axis=-1)
        lanes = lax.broadcasted_iota(jnp.int32, (TILE_M, E), 1)
        m1 = jnp.max(prob, axis=-1, keepdims=True)
        i1 = jnp.min(jnp.where(prob == m1, lanes, E), axis=-1, keepdims=True)
        sel1 = lanes == i1
        pm = jnp.where(sel1, -jnp.inf, prob)
        m2 = jnp.max(pm, axis=-1, keepdims=True)
        i2 = jnp.min(jnp.where(pm == m2, lanes, E), axis=-1, keepdims=True)
        sel2 = lanes == i2
        s1f = sel1.astype(jnp.float32)
        s2f = sel2.astype(jnp.float32)
        sel1_ref[msl, :] = s1f
        sel2_ref[msl, :] = s2f
        cnt_ref[pl.ds(m, 1), :] = jnp.sum(s1f + s2f, axis=0, keepdims=True)

        w1 = jnp.sum(jnp.where(sel1, prob, 0.0), axis=-1, keepdims=True)
        w2 = jnp.sum(jnp.where(sel2, prob, 0.0), axis=-1, keepdims=True)
        sig = jax.nn.sigmoid(
            jnp.dot(xf, sg_ref[...].T, preferred_element_type=jnp.float32))
        wcomb_ref[...] = jnp.concatenate(
            [w1, w2, sig, jnp.zeros_like(w1)], axis=1)

    @pl.when(p == 1)
    def _emit_pass():
        s1f = sel1_ref[msl, :]
        s2f = sel2_ref[msl, :]
        sel1 = s1f > 0.5
        sel2 = s2f > 0.5
        cnt_tok = s1f + s2f
        rows8 = lax.broadcasted_iota(jnp.int32, (M_T, E), 0)
        cnt_all = cnt_ref[...]
        running = jnp.sum(jnp.where(rows8 < m, cnt_all, 0.0), axis=0,
                          keepdims=True)
        totals = jnp.sum(cnt_all, axis=0, keepdims=True)
        padded = 256.0 * jnp.floor((totals + 255.0) / 256.0)
        le = lax.broadcasted_iota(jnp.int32, (E, E), 0)
        ri = lax.broadcasted_iota(jnp.int32, (E, E), 1)
        triu_s = (le < ri).astype(jnp.float32)
        base = jnp.round(jnp.dot(padded, triu_s,
                                 preferred_element_type=jnp.float32))

        r2 = lax.broadcasted_iota(jnp.int32, (TILE_M, TILE_M), 0)
        c2 = lax.broadcasted_iota(jnp.int32, (TILE_M, TILE_M), 1)
        tril_s = (c2 < r2).astype(jnp.float32)
        within = jnp.round(jnp.dot(tril_s, cnt_tok,
                                   preferred_element_type=jnp.float32))
        cpos = base + running + within
        pos0 = jnp.sum(jnp.where(sel1, cpos, 0.0), axis=-1, keepdims=True)
        pos1 = jnp.sum(jnp.where(sel2, cpos, 0.0), axis=-1, keepdims=True)
        pos0_ref[...] = pos0.astype(jnp.int32).T.reshape(1, 1, TILE_M)
        pos1_ref[...] = pos1.astype(jnp.int32).T.reshape(1, 1, TILE_M)

        @pl.when(m == M_T - 1)
        def _tiles():
            ti = lax.broadcasted_iota(jnp.int32, (1, NW), 1).astype(
                jnp.float32)
            end_t = (base + padded) / 256.0
            nfin = jnp.zeros((1, NW), jnp.float32)
            for e in range(E):
                nfin = nfin + (ti >= end_t[0, e]).astype(jnp.float32)
            eids = lax.broadcasted_iota(jnp.int32, (1, E), 1).astype(
                jnp.float32)
            e_last = jnp.max(jnp.where(padded > 0.0, eids, -1.0))
            te = jnp.where(nfin < float(E), nfin, e_last + float(E))
            tile_e_ref[...] = te.astype(jnp.int32)


def _run_router(x32, gate_w, shared_gate_w):
    return pl.pallas_call(
        _router_kernel,
        grid=(2, M_T),
        in_specs=[
            pl.BlockSpec((TILE_M, H),
                         lambda p, m: (jnp.where(p == 0, m, M_T - 1), 0)),
            pl.BlockSpec((E, H), lambda p, m: (0, 0)),
            pl.BlockSpec((1, H), lambda p, m: (0, 0)),
        ],
        out_specs=[
            pl.BlockSpec((1, 1, TILE_M),
                         lambda p, m: (jnp.where(p == 1, m, 0), 0, 0)),
            pl.BlockSpec((1, 1, TILE_M),
                         lambda p, m: (jnp.where(p == 1, m, 0), 0, 0)),
            pl.BlockSpec((TILE_M, 4),
                         lambda p, m: (jnp.where(p == 0, m, M_T - 1), 0)),
            pl.BlockSpec((1, NW), lambda p, m: (0, 0)),
            pl.BlockSpec((TILE_M, H // 2),
                         lambda p, m: (jnp.where(p == 0, m, M_T - 1), 0)),
        ],
        out_shape=[
            jax.ShapeDtypeStruct((M_T, 1, TILE_M), jnp.int32),
            jax.ShapeDtypeStruct((M_T, 1, TILE_M), jnp.int32),
            jax.ShapeDtypeStruct((T, 4), jnp.float32),
            jax.ShapeDtypeStruct((1, NW), jnp.int32),
            jax.ShapeDtypeStruct((T, H // 2), jnp.int32),
        ],
        scratch_shapes=[
            pltpu.VMEM((M_T, E), jnp.float32),
            pltpu.VMEM((T, E), jnp.float32),
            pltpu.VMEM((T, E), jnp.float32),
        ],
        compiler_params=pltpu.CompilerParams(
            dimension_semantics=("arbitrary", "arbitrary")),
    )(x32, gate_w, shared_gate_w)



def _make_sc_scatter():
    mesh = plsc.VectorSubcoreMesh(core_axis_name="c", subcore_axis_name="s")

    @functools.partial(
        pl.kernel, mesh=mesh,
        out_type=jax.ShapeDtypeStruct((P_MAX, H // 2), jnp.int32),
        scratch_types=[
            pltpu.VMEM((TPW, H // 2), jnp.int32),
            pltpu.VMEM((TPW,), jnp.int32),
            pltpu.VMEM((TPW,), jnp.int32),
            pltpu.SemaphoreType.DMA,
            pltpu.SemaphoreType.DMA,
        ],
    )
    def sc_scatter(xb_hbm, pos0_hbm, pos1_hbm, xg_hbm, xloc, idx0, idx1,
                   sem0, sem1):
        wid = lax.axis_index("s") * 2 + lax.axis_index("c")
        pltpu.sync_copy(xb_hbm.at[pl.ds(wid * TPW, TPW)], xloc)
        pltpu.sync_copy(pos0_hbm.at[wid, 0], idx0)
        pltpu.sync_copy(pos1_hbm.at[wid, 0], idx1)
        c0 = pltpu.async_copy(xloc, xg_hbm.at[idx0], sem0)
        c1 = pltpu.async_copy(xloc, xg_hbm.at[idx1], sem1)
        c0.wait()
        c1.wait()

    return sc_scatter



def _grouped_kernel(te_ref, xg_ref, wg_ref, wu_ref, wd_ref, yg_ref,
                    wgb, wub, wdb):
    i = pl.program_id(0)
    te = te_ref[i]

    @pl.when(te < E)
    def _work():
        prev = te_ref[jnp.maximum(i - 1, 0)]

        @pl.when((i == 0) | (te != prev))
        def _cast():
            wgb[...] = wg_ref[0].astype(jnp.bfloat16)
            wub[...] = wu_ref[0].astype(jnp.bfloat16)
            wdb[...] = wd_ref[0].astype(jnp.bfloat16)

        xblk = _unpack_bf16(xg_ref[...])
        g = lax.dot_general(xblk, wgb[...], (((1,), (1,)), ((), ())),
                            preferred_element_type=jnp.float32)
        u = lax.dot_general(xblk, wub[...], (((1,), (1,)), ((), ())),
                            preferred_element_type=jnp.float32)
        h = (jax.nn.silu(g) * u).astype(jnp.bfloat16)
        d = lax.dot_general(h, wdb[...], (((1,), (1,)), ((), ())),
                            preferred_element_type=jnp.float32)
        yg_ref[...] = _pack_bf16(d.astype(jnp.bfloat16))


def _run_grouped(tile_e, xg2d, Wg, Wu, Wd):
    grid_spec = pltpu.PrefetchScalarGridSpec(
        num_scalar_prefetch=1,
        grid=(G_TILES,),
        in_specs=[
            pl.BlockSpec((TILE_M, H // 2), lambda i, te: (i, 0)),
            pl.BlockSpec((1, FF, H),
                         lambda i, te: (lax.rem(te[i], E), 0, 0)),
            pl.BlockSpec((1, FF, H),
                         lambda i, te: (lax.rem(te[i], E), 0, 0)),
            pl.BlockSpec((1, H, FF),
                         lambda i, te: (lax.rem(te[i], E), 0, 0)),
        ],
        out_specs=pl.BlockSpec((TILE_M, H // 2), lambda i, te: (i, 0)),
        scratch_shapes=[
            pltpu.VMEM((FF, H), jnp.bfloat16),
            pltpu.VMEM((FF, H), jnp.bfloat16),
            pltpu.VMEM((H, FF), jnp.bfloat16),
        ],
    )
    return pl.pallas_call(
        _grouped_kernel,
        grid_spec=grid_spec,
        out_shape=jax.ShapeDtypeStruct((P_MAX, H // 2), jnp.int32),
        compiler_params=pltpu.CompilerParams(
            dimension_semantics=("arbitrary",),
            vmem_limit_bytes=110 * 1024 * 1024,
        ),
    )(tile_e, xg2d, Wg, Wu, Wd)



def _make_sc_gather():
    mesh = plsc.VectorSubcoreMesh(core_axis_name="c", subcore_axis_name="s")

    @functools.partial(
        pl.kernel, mesh=mesh,
        out_type=[
            jax.ShapeDtypeStruct((T, H // 2), jnp.int32),
            jax.ShapeDtypeStruct((T, H // 2), jnp.int32),
        ],
        scratch_types=[
            pltpu.VMEM((TPW, H // 2), jnp.int32),
            pltpu.VMEM((TPW, H // 2), jnp.int32),
            pltpu.VMEM((TPW,), jnp.int32),
            pltpu.VMEM((TPW,), jnp.int32),
            pltpu.SemaphoreType.DMA,
            pltpu.SemaphoreType.DMA,
        ],
    )
    def sc_gather(yg_hbm, pos0_hbm, pos1_hbm, y0_hbm, y1_hbm, rows0, rows1,
                  idx0, idx1, sem0, sem1):
        wid = lax.axis_index("s") * 2 + lax.axis_index("c")
        pltpu.sync_copy(pos0_hbm.at[wid, 0], idx0)
        pltpu.sync_copy(pos1_hbm.at[wid, 0], idx1)
        c0 = pltpu.async_copy(yg_hbm.at[idx0], rows0, sem0)
        c1 = pltpu.async_copy(yg_hbm.at[idx1], rows1, sem1)
        c0.wait()
        c1.wait()
        pltpu.sync_copy(rows0, y0_hbm.at[pl.ds(wid * TPW, TPW)])
        pltpu.sync_copy(rows1, y1_hbm.at[pl.ds(wid * TPW, TPW)])

    return sc_gather



def _combine_kernel(xb_ref, swg_ref, swu_ref, swd_ref, y0_ref, y1_ref,
                    wc_ref, out_ref, swg_s, swu_s, swd_s):
    m = pl.program_id(0)

    @pl.when(m == 0)
    def _cast():
        swg_s[...] = swg_ref[...].astype(jnp.bfloat16)
        swu_s[...] = swu_ref[...].astype(jnp.bfloat16)
        swd_s[...] = swd_ref[...].astype(jnp.bfloat16)

    xblk = xb_ref[...].astype(jnp.bfloat16)
    g = lax.dot_general(xblk, swg_s[...], (((1,), (1,)), ((), ())),
                        preferred_element_type=jnp.float32)
    u = lax.dot_general(xblk, swu_s[...], (((1,), (1,)), ((), ())),
                        preferred_element_type=jnp.float32)
    h = (jax.nn.silu(g) * u).astype(jnp.bfloat16)
    sh = lax.dot_general(h, swd_s[...], (((1,), (1,)), ((), ())),
                         preferred_element_type=jnp.float32)
    wc = wc_ref[...]
    y0 = _unpack_bf16(y0_ref[...]).astype(jnp.float32)
    y1 = _unpack_bf16(y1_ref[...]).astype(jnp.float32)
    out_ref[...] = wc[:, 0:1] * y0 + wc[:, 1:2] * y1 + wc[:, 2:3] * sh


def _run_combine(xb2d, sWg_f, sWu_f, sWd_f, y0g, y1g, wcomb):
    return pl.pallas_call(
        _combine_kernel,
        grid=(M_T,),
        in_specs=[
            pl.BlockSpec((TILE_M, H), lambda m: (m, 0)),
            pl.BlockSpec((SFF, H), lambda m: (0, 0)),
            pl.BlockSpec((SFF, H), lambda m: (0, 0)),
            pl.BlockSpec((H, SFF), lambda m: (0, 0)),
            pl.BlockSpec((TILE_M, H // 2), lambda m: (m, 0)),
            pl.BlockSpec((TILE_M, H // 2), lambda m: (m, 0)),
            pl.BlockSpec((TILE_M, 4), lambda m: (m, 0)),
        ],
        out_specs=pl.BlockSpec((TILE_M, H), lambda m: (m, 0)),
        out_shape=jax.ShapeDtypeStruct((T, H), jnp.float32),
        scratch_shapes=[
            pltpu.VMEM((SFF, H), jnp.bfloat16),
            pltpu.VMEM((SFF, H), jnp.bfloat16),
            pltpu.VMEM((H, SFF), jnp.bfloat16),
        ],
        compiler_params=pltpu.CompilerParams(
            dimension_semantics=("arbitrary",),
            vmem_limit_bytes=110 * 1024 * 1024,
        ),
    )(xb2d, sWg_f, sWu_f, sWd_f, y0g, y1g, wcomb)


_SC_CACHE = {}


def _sc_scatter():
    if "scatter" not in _SC_CACHE:
        _SC_CACHE["scatter"] = _make_sc_scatter()
    return _SC_CACHE["scatter"]


def _sc_gather():
    if "gather" not in _SC_CACHE:
        _SC_CACHE["gather"] = _make_sc_gather()
    return _SC_CACHE["gather"]


@jax.jit
def kernel(hidden_states, gate_w, Wg, Wu, Wd, sWg, sWu, sWd, shared_gate_w):
    b, s_len, h = hidden_states.shape
    x32 = hidden_states.reshape(T, H)

    pos0, pos1, wcomb, tile_e2, xpk = _run_router(x32, gate_w, shared_gate_w)
    p0w = pos0.reshape(NW, 1, TPW)
    p1w = pos1.reshape(NW, 1, TPW)

    xg = _sc_scatter()(xpk, p0w, p1w)
    yg = _run_grouped(tile_e2.reshape(NW), xg, Wg, Wu, Wd)
    y0g, y1g = _sc_gather()(yg, p0w, p1w)
    out = _run_combine(x32, sWg, sWu, sWd, y0g, y1g, wcomb)
    return out.reshape(b, s_len, h)

# --- scband reference (transcript-rebuilt; emitter-appended) ---
"""Pipeline reference for scband-qwen2-style-mo-e-71640054497663 (READ-ONLY COPY).

The authoritative reference and input builder live on the scoring server;
editing this copy changes nothing except your own understanding.
"""

import jax, jax.numpy as jnp
import numpy as np

E = 8
TOP_K = 2
H = 1024
FF = 1408
SFF = 2816
B = 1
S = 2048


def setup_inputs(seed: int = 0) -> dict:
    key = jax.random.key(seed)
    ks = jax.random.split(key, 9)
    s = 0.02
    return {
        "hidden_states": jax.random.normal(ks[0], (B, S, H), dtype=jnp.float32),
        "gate_w": (jax.random.normal(ks[1], (E, H), dtype=jnp.float32) * s),
        "Wg": (jax.random.normal(ks[2], (E, FF, H), dtype=jnp.float32) * s),
        "Wu": (jax.random.normal(ks[3], (E, FF, H), dtype=jnp.float32) * s),
        "Wd": (jax.random.normal(ks[4], (E, H, FF), dtype=jnp.float32) * s),
        "sWg": (jax.random.normal(ks[5], (SFF, H), dtype=jnp.float32) * s),
        "sWu": (jax.random.normal(ks[6], (SFF, H), dtype=jnp.float32) * s),
        "sWd": (jax.random.normal(ks[7], (H, SFF), dtype=jnp.float32) * s),
        "shared_gate_w": (jax.random.normal(ks[8], (1, H), dtype=jnp.float32) * s),
    }


def _swiglu(x, wg, wu, wd):
    return (jax.nn.silu(x @ wg.T) * (x @ wu.T)) @ wd.T


def reference(hidden_states, gate_w, Wg, Wu, Wd, sWg, sWu, sWd, shared_gate_w):
    b, s_len, h = hidden_states.shape
    hidden = hidden_states.reshape(-1, h)  # [T, H]
    router_logits = hidden @ gate_w.T  # [T, E]
    routing_weights = jax.nn.softmax(router_logits.astype(jnp.float32), axis=-1)
    routing_weights, selected_experts = jax.lax.top_k(routing_weights, TOP_K)
    routing_weights = routing_weights.astype(hidden.dtype)
    one_hot_mask = jax.nn.one_hot(selected_experts, E, dtype=routing_weights.dtype)  # [T, top_k, E]
    weight_matrix = (one_hot_mask * routing_weights[..., None]).sum(axis=1)  # [T, E]
    final = jnp.zeros_like(hidden)
    for i in range(E):
        expert_out = _swiglu(hidden, Wg[i], Wu[i], Wd[i])
        final = final + expert_out * weight_matrix[:, i:i + 1]
    shared_out = _swiglu(hidden, sWg, sWu, sWd)
    shared_gate = jax.nn.sigmoid(hidden @ shared_gate_w.T)  # [T, 1]
    out = final + shared_gate * shared_out
    return out.reshape(b, s_len, h)

if __name__ == "__main__":
    import jax
    _d = setup_inputs()
    print(jax.jit(kernel)(*tuple(_d.values())))

</pallas_src>

<mosaic_0001>
#map = affine_map<(d0, d1) -> (0, 0)>
#map1 = affine_map<(d0, d1) -> (0, 0, 0)>
module attributes {stable_mosaic.version = 14 : i64} {
  func.func @sc_gather(%arg0: i32, %arg1: i32, %arg2: memref<6144x512xi32, #tpu.memory_space<hbm>>, %arg3: memref<32x1x64xi32, #tpu.memory_space<hbm>>, %arg4: memref<32x1x64xi32, #tpu.memory_space<hbm>>, %arg5: memref<2048x512xi32, #tpu.memory_space<hbm>>, %arg6: memref<2048x512xi32, #tpu.memory_space<hbm>>, %arg7: memref<64x512xi32, #tpu.memory_space<vmem>>, %arg8: memref<64x512xi32, #tpu.memory_space<vmem>>, %arg9: memref<64xi32, #tpu.memory_space<vmem>>, %arg10: memref<64xi32, #tpu.memory_space<vmem>>, %arg11: memref<!tpu.dma_semaphore, #tpu.memory_space<semaphore_mem>>, %arg12: memref<!tpu.dma_semaphore, #tpu.memory_space<semaphore_mem>>) attributes {dimension_semantics = [#tpu.dimension_semantics<core_parallel>, #tpu.dimension_semantics<subcore_parallel>], iteration_bounds = array<i64: 2, 16>, scalar_prefetch = 0 : i64, scratch_operands = 6 : i64, tpu.core_type = #tpu.core_type<sc_vector_subcore>, window_params = [{transform_indices = #map}, {transform_indices = #map1}, {transform_indices = #map1}, {transform_indices = #map}, {transform_indices = #map}]} {
    %mul3A = arith.constant 2 : i32
    %mul3A_0 = arith.muli %arg1, %mul3A : i32
    %add3A = arith.addi %mul3A_0, %arg0 : i32
    %run_scoped3A = arith.constant 0 : i32
    "tpu.region"() ({
      %run_scoped3A_16 = tpu.sem_alloc : memref<!tpu.dma_semaphore, #tpu.memory_space<semaphore_mem>>
      %dma_start3A_17 = arith.constant 0 : i32
      %dma_start3A_18 = tpu.memref_slice %arg3[%add3A, %run_scoped3A, %dma_start3A_17] : memref<32x1x64xi32, #tpu.memory_space<hbm>> -> memref<1x1x64xi32, #tpu.memory_space<hbm>>
      %dma_start3A_19 = tpu.memref_squeeze %dma_start3A_18 : memref<1x1x64xi32, #tpu.memory_space<hbm>> -> memref<64xi32, #tpu.memory_space<hbm>>
      %dma_start3A_20 = arith.constant 0 : i32
      %dma_start3A_21 = tpu.memref_slice %arg3[%add3A, %run_scoped3A, %dma_start3A_20] : memref<32x1x64xi32, #tpu.memory_space<hbm>> -> memref<1x1x64xi32, #tpu.memory_space<hbm>>
      %dma_start3A_22 = tpu.memref_squeeze %dma_start3A_21 : memref<1x1x64xi32, #tpu.memory_space<hbm>> -> memref<64xi32, #tpu.memory_space<hbm>>
      tpu.enqueue_dma source(%dma_start3A_22 : memref<64xi32, #tpu.memory_space<hbm>>) target(%arg9 : memref<64xi32, #tpu.memory_space<vmem>>) target_semaphore(%run_scoped3A_16 : memref<!tpu.dma_semaphore, #tpu.memory_space<semaphore_mem>>)
      %dma_wait3A_23 = arith.constant 0 : i32
      %dma_wait3A_24 = tpu.memref_slice %arg3[%add3A, %run_scoped3A, %dma_wait3A_23] : memref<32x1x64xi32, #tpu.memory_space<hbm>> -> memref<1x1x64xi32, #tpu.memory_space<hbm>>
      %dma_wait3A_25 = tpu.memref_squeeze %dma_wait3A_24 : memref<1x1x64xi32, #tpu.memory_space<hbm>> -> memref<64xi32, #tpu.memory_space<hbm>>
      %dma_wait3A_26 = arith.constant 0 : i32
      %dma_wait3A_27 = tpu.memref_slice %arg3[%add3A, %run_scoped3A, %dma_wait3A_26] : memref<32x1x64xi32, #tpu.memory_space<hbm>> -> memref<1x1x64xi32, #tpu.memory_space<hbm>>
      %dma_wait3A_28 = tpu.memref_squeeze %dma_wait3A_27 : memref<1x1x64xi32, #tpu.memory_space<hbm>> -> memref<64xi32, #tpu.memory_space<hbm>>
      tpu.wait_dma2 semaphore(%run_scoped3A_16 : memref<!tpu.dma_semaphore, #tpu.memory_space<semaphore_mem>>) src(%dma_wait3A_28 : memref<64xi32, #tpu.memory_space<hbm>>) dst(%arg9 : memref<64xi32, #tpu.memory_space<vmem>>)
      tpu.yield
    }) : () -> ()
    %run_scoped3A_1 = arith.constant 0 : i32
    "tpu.region"() ({
      %run_scoped3A_16 = tpu.sem_alloc : memref<!tpu.dma_semaphore, #tpu.memory_space<semaphore_mem>>
      %dma_start3A_17 = arith.constant 0 : i32
      %dma_start3A_18 = tpu.memref_slice %arg4[%add3A, %run_scoped3A_1, %dma_start3A_17] : memref<32x1x64xi32, #tpu.memory_space<hbm>> -> memref<1x1x64xi32, #tpu.memory_space<hbm>>
      %dma_start3A_19 = tpu.memref_squeeze %dma_start3A_18 : memref<1x1x64xi32, #tpu.memory_space<hbm>> -> memref<64xi32, #tpu.memory_space<hbm>>
      %dma_start3A_20 = arith.constant 0 : i32
      %dma_start3A_21 = tpu.memref_slice %arg4[%add3A, %run_scoped3A_1, %dma_start3A_20] : memref<32x1x64xi32, #tpu.memory_space<hbm>> -> memref<1x1x64xi32, #tpu.memory_space<hbm>>
      %dma_start3A_22 = tpu.memref_squeeze %dma_start3A_21 : memref<1x1x64xi32, #tpu.memory_space<hbm>> -> memref<64xi32, #tpu.memory_space<hbm>>
      tpu.enqueue_dma source(%dma_start3A_22 : memref<64xi32, #tpu.memory_space<hbm>>) target(%arg10 : memref<64xi32, #tpu.memory_space<vmem>>) target_semaphore(%run_scoped3A_16 : memref<!tpu.dma_semaphore, #tpu.memory_space<semaphore_mem>>)
      %dma_wait3A_23 = arith.constant 0 : i32
      %dma_wait3A_24 = tpu.memref_slice %arg4[%add3A, %run_scoped3A_1, %dma_wait3A_23] : memref<32x1x64xi32, #tpu.memory_space<hbm>> -> memref<1x1x64xi32, #tpu.memory_space<hbm>>
      %dma_wait3A_25 = tpu.memref_squeeze %dma_wait3A_24 : memref<1x1x64xi32, #tpu.memory_space<hbm>> -> memref<64xi32, #tpu.memory_space<hbm>>
      %dma_wait3A_26 = arith.constant 0 : i32
      %dma_wait3A_27 = tpu.memref_slice %arg4[%add3A, %run_scoped3A_1, %dma_wait3A_26] : memref<32x1x64xi32, #tpu.memory_space<hbm>> -> memref<1x1x64xi32, #tpu.memory_space<hbm>>
      %dma_wait3A_28 = tpu.memref_squeeze %dma_wait3A_27 : memref<1x1x64xi32, #tpu.memory_space<hbm>> -> memref<64xi32, #tpu.memory_space<hbm>>
      tpu.wait_dma2 semaphore(%run_scoped3A_16 : memref<!tpu.dma_semaphore, #tpu.memory_space<semaphore_mem>>) src(%dma_wait3A_28 : memref<64xi32, #tpu.memory_space<hbm>>) dst(%arg10 : memref<64xi32, #tpu.memory_space<vmem>>)
      tpu.yield
    }) : () -> ()
    %dma_start3A = arith.constant 0 : i32
    %dma_start3A_2 = arith.constant 0 : i32
    %dma_start3A_3 = tpu.memref_slice %arg2[%dma_start3A, %dma_start3A_2] : memref<6144x512xi32, #tpu.memory_space<hbm>> -> memref<6144x512xi32, #tpu.memory_space<hbm>>
    tpu.enqueue_indirect_dma source(%dma_start3A_3 : memref<6144x512xi32, #tpu.memory_space<hbm>>) target(%arg7 : memref<64x512xi32, #tpu.memory_space<vmem>>) offsets(%arg9 : memref<64xi32, #tpu.memory_space<vmem>>) semaphore(%arg11 : memref<!tpu.dma_semaphore, #tpu.memory_space<semaphore_mem>>)
    %dma_start3A_4 = arith.constant 0 : i32
    %dma_start3A_5 = arith.constant 0 : i32
    %dma_start3A_6 = tpu.memref_slice %arg2[%dma_start3A_4, %dma_start3A_5] : memref<6144x512xi32, #tpu.memory_space<hbm>> -> memref<6144x512xi32, #tpu.memory_space<hbm>>
    tpu.enqueue_indirect_dma source(%dma_start3A_6 : memref<6144x512xi32, #tpu.memory_space<hbm>>) target(%arg8 : memref<64x512xi32, #tpu.memory_space<vmem>>) offsets(%arg10 : memref<64xi32, #tpu.memory_space<vmem>>) semaphore(%arg12 : memref<!tpu.dma_semaphore, #tpu.memory_space<semaphore_mem>>)
    %dma_wait3A = arith.constant 0 : i32
    %dma_wait3A_7 = arith.constant 0 : i32
    %dma_wait3A_8 = tpu.memref_slice %arg2[%dma_wait3A, %dma_wait3A_7] : memref<6144x512xi32, #tpu.memory_space<hbm>> -> memref<6144x512xi32, #tpu.memory_space<hbm>>
    tpu.wait_indirect_dma semaphore(%arg11 : memref<!tpu.dma_semaphore, #tpu.memory_space<semaphore_mem>>) src(%dma_wait3A_8 : memref<6144x512xi32, #tpu.memory_space<hbm>>) dst(%arg7 : memref<64x512xi32, #tpu.memory_space<vmem>>)
    %dma_wait3A_9 = arith.constant 0 : i32
    %dma_wait3A_10 = arith.constant 0 : i32
    %dma_wait3A_11 = tpu.memref_slice %arg2[%dma_wait3A_9, %dma_wait3A_10] : memref<6144x512xi32, #tpu.memory_space<hbm>> -> memref<6144x512xi32, #tpu.memory_space<hbm>>
    tpu.wait_indirect_dma semaphore(%arg12 : memref<!tpu.dma_semaphore, #tpu.memory_space<semaphore_mem>>) src(%dma_wait3A_11 : memref<6144x512xi32, #tpu.memory_space<hbm>>) dst(%arg8 : memref<64x512xi32, #tpu.memory_space<vmem>>)
    %mul3A_12 = arith.constant 64 : i32
    %mul3A_13 = arith.muli %add3A, %mul3A_12 : i32
    "tpu.region"() ({
      %run_scoped3A_16 = tpu.sem_alloc : memref<!tpu.dma_semaphore, #tpu.memory_space<semaphore_mem>>
      %dma_start3A_17 = arith.constant 0 : i32
      %dma_start3A_18 = tpu.memref_slice %arg5[%mul3A_13, %dma_start3A_17] : memref<2048x512xi32, #tpu.memory_space<hbm>> -> memref<64x512xi32, #tpu.memory_space<hbm>>
      %dma_start3A_19 = arith.constant 0 : i32
      %dma_start3A_20 = tpu.memref_slice %arg5[%mul3A_13, %dma_start3A_19] : memref<2048x512xi32, #tpu.memory_space<hbm>> -> memref<64x512xi32, #tpu.memory_space<hbm>>
      tpu.enqueue_dma source(%arg7 : memref<64x512xi32, #tpu.memory_space<vmem>>) target(%dma_start3A_20 : memref<64x512xi32, #tpu.memory_space<hbm>>) target_semaphore(%run_scoped3A_16 : memref<!tpu.dma_semaphore, #tpu.memory_space<semaphore_mem>>)
      %dma_wait3A_21 = arith.constant 0 : i32
      %dma_wait3A_22 = tpu.memref_slice %arg5[%mul3A_13, %dma_wait3A_21] : memref<2048x512xi32, #tpu.memory_space<hbm>> -> memref<64x512xi32, #tpu.memory_space<hbm>>
      %dma_wait3A_23 = arith.constant 0 : i32
      %dma_wait3A_24 = tpu.memref_slice %arg5[%mul3A_13, %dma_wait3A_23] : memref<2048x512xi32, #tpu.memory_space<hbm>> -> memref<64x512xi32, #tpu.memory_space<hbm>>
      tpu.wait_dma2 semaphore(%run_scoped3A_16 : memref<!tpu.dma_semaphore, #tpu.memory_space<semaphore_mem>>) src(%arg7 : memref<64x512xi32, #tpu.memory_space<vmem>>) dst(%dma_wait3A_24 : memref<64x512xi32, #tpu.memory_space<hbm>>)
      tpu.yield
    }) : () -> ()
    %mul3A_14 = arith.constant 64 : i32
    %mul3A_15 = arith.muli %add3A, %mul3A_14 : i32
    "tpu.region"() ({
      %run_scoped3A_16 = tpu.sem_alloc : memref<!tpu.dma_semaphore, #tpu.memory_space<semaphore_mem>>
      %dma_start3A_17 = arith.constant 0 : i32
      %dma_start3A_18 = tpu.memref_slice %arg6[%mul3A_15, %dma_start3A_17] : memref<2048x512xi32, #tpu.memory_space<hbm>> -> memref<64x512xi32, #tpu.memory_space<hbm>>
      %dma_start3A_19 = arith.constant 0 : i32
      %dma_start3A_20 = tpu.memref_slice %arg6[%mul3A_15, %dma_start3A_19] : memref<2048x512xi32, #tpu.memory_space<hbm>> -> memref<64x512xi32, #tpu.memory_space<hbm>>
      tpu.enqueue_dma source(%arg8 : memref<64x512xi32, #tpu.memory_space<vmem>>) target(%dma_start3A_20 : memref<64x512xi32, #tpu.memory_space<hbm>>) target_semaphore(%run_scoped3A_16 : memref<!tpu.dma_semaphore, #tpu.memory_space<semaphore_mem>>)
      %dma_wait3A_21 = arith.constant 0 : i32
      %dma_wait3A_22 = tpu.memref_slice %arg6[%mul3A_15, %dma_wait3A_21] : memref<2048x512xi32, #tpu.memory_space<hbm>> -> memref<64x512xi32, #tpu.memory_space<hbm>>
      %dma_wait3A_23 = arith.constant 0 : i32
      %dma_wait3A_24 = tpu.memref_slice %arg6[%mul3A_15, %dma_wait3A_23] : memref<2048x512xi32, #tpu.memory_space<hbm>> -> memref<64x512xi32, #tpu.memory_space<hbm>>
      tpu.wait_dma2 semaphore(%run_scoped3A_16 : memref<!tpu.dma_semaphore, #tpu.memory_space<semaphore_mem>>) src(%arg8 : memref<64x512xi32, #tpu.memory_space<vmem>>) dst(%dma_wait3A_24 : memref<64x512xi32, #tpu.memory_space<hbm>>)
      tpu.yield
    }) : () -> ()
    return
  }
}

#map = affine_map<(d0, d1) -> (0, 0)>
#map1 = affine_map<(d0, d1) -> (0, 0, 0)>
module attributes {stable_mosaic.version = 14 : i64} {
  func.func @sc_scatter(%arg0: i32, %arg1: i32, %arg2: memref<2048x512xi32, #tpu.memory_space<hbm>>, %arg3: memref<32x1x64xi32, #tpu.memory_space<hbm>>, %arg4: memref<32x1x64xi32, #tpu.memory_space<hbm>>, %arg5: memref<6144x512xi32, #tpu.memory_space<hbm>>, %arg6: memref<64x512xi32, #tpu.memory_space<vmem>>, %arg7: memref<64xi32, #tpu.memory_space<vmem>>, %arg8: memref<64xi32, #tpu.memory_space<vmem>>, %arg9: memref<!tpu.dma_semaphore, #tpu.memory_space<semaphore_mem>>, %arg10: memref<!tpu.dma_semaphore, #tpu.memory_space<semaphore_mem>>) attributes {dimension_semantics = [#tpu.dimension_semantics<core_parallel>, #tpu.dimension_semantics<subcore_parallel>], iteration_bounds = array<i64: 2, 16>, scalar_prefetch = 0 : i64, scratch_operands = 5 : i64, tpu.core_type = #tpu.core_type<sc_vector_subcore>, window_params = [{transform_indices = #map}, {transform_indices = #map1}, {transform_indices = #map1}, {transform_indices = #map}]} {
    %mul3A = arith.constant 2 : i32
    %mul3A_0 = arith.muli %arg1, %mul3A : i32
    %add3A = arith.addi %mul3A_0, %arg0 : i32
    %mul3A_1 = arith.constant 64 : i32
    %mul3A_2 = arith.muli %add3A, %mul3A_1 : i32
    "tpu.region"() ({
      %run_scoped3A_14 = tpu.sem_alloc : memref<!tpu.dma_semaphore, #tpu.memory_space<semaphore_mem>>
      %dma_start3A_15 = arith.constant 0 : i32
      %dma_start3A_16 = tpu.memref_slice %arg2[%mul3A_2, %dma_start3A_15] : memref<2048x512xi32, #tpu.memory_space<hbm>> -> memref<64x512xi32, #tpu.memory_space<hbm>>
      %dma_start3A_17 = arith.constant 0 : i32
      %dma_start3A_18 = tpu.memref_slice %arg2[%mul3A_2, %dma_start3A_17] : memref<2048x512xi32, #tpu.memory_space<hbm>> -> memref<64x512xi32, #tpu.memory_space<hbm>>
      tpu.enqueue_dma source(%dma_start3A_18 : memref<64x512xi32, #tpu.memory_space<hbm>>) target(%arg6 : memref<64x512xi32, #tpu.memory_space<vmem>>) target_semaphore(%run_scoped3A_14 : memref<!tpu.dma_semaphore, #tpu.memory_space<semaphore_mem>>)
      %dma_wait3A_19 = arith.constant 0 : i32
      %dma_wait3A_20 = tpu.memref_slice %arg2[%mul3A_2, %dma_wait3A_19] : memref<2048x512xi32, #tpu.memory_space<hbm>> -> memref<64x512xi32, #tpu.memory_space<hbm>>
      %dma_wait3A_21 = arith.constant 0 : i32
      %dma_wait3A_22 = tpu.memref_slice %arg2[%mul3A_2, %dma_wait3A_21] : memref<2048x512xi32, #tpu.memory_space<hbm>> -> memref<64x512xi32, #tpu.memory_space<hbm>>
      tpu.wait_dma2 semaphore(%run_scoped3A_14 : memref<!tpu.dma_semaphore, #tpu.memory_space<semaphore_mem>>) src(%dma_wait3A_22 : memref<64x512xi32, #tpu.memory_space<hbm>>) dst(%arg6 : memref<64x512xi32, #tpu.memory_space<vmem>>)
      tpu.yield
    }) : () -> ()
    %run_scoped3A = arith.constant 0 : i32
    "tpu.region"() ({
      %run_scoped3A_14 = tpu.sem_alloc : memref<!tpu.dma_semaphore, #tpu.memory_space<semaphore_mem>>
      %dma_start3A_15 = arith.constant 0 : i32
      %dma_start3A_16 = tpu.memref_slice %arg3[%add3A, %run_scoped3A, %dma_start3A_15] : memref<32x1x64xi32, #tpu.memory_space<hbm>> -> memref<1x1x64xi32, #tpu.memory_space<hbm>>
      %dma_start3A_17 = tpu.memref_squeeze %dma_start3A_16 : memref<1x1x64xi32, #tpu.memory_space<hbm>> -> memref<64xi32, #tpu.memory_space<hbm>>
      %dma_start3A_18 = arith.constant 0 : i32
      %dma_start3A_19 = tpu.memref_slice %arg3[%add3A, %run_scoped3A, %dma_start3A_18] : memref<32x1x64xi32, #tpu.memory_space<hbm>> -> memref<1x1x64xi32, #tpu.memory_space<hbm>>
      %dma_start3A_20 = tpu.memref_squeeze %dma_start3A_19 : memref<1x1x64xi32, #tpu.memory_space<hbm>> -> memref<64xi32, #tpu.memory_space<hbm>>
      tpu.enqueue_dma source(%dma_start3A_20 : memref<64xi32, #tpu.memory_space<hbm>>) target(%arg7 : memref<64xi32, #tpu.memory_space<vmem>>) target_semaphore(%run_scoped3A_14 : memref<!tpu.dma_semaphore, #tpu.memory_space<semaphore_mem>>)
      %dma_wait3A_21 = arith.constant 0 : i32
      %dma_wait3A_22 = tpu.memref_slice %arg3[%add3A, %run_scoped3A, %dma_wait3A_21] : memref<32x1x64xi32, #tpu.memory_space<hbm>> -> memref<1x1x64xi32, #tpu.memory_space<hbm>>
      %dma_wait3A_23 = tpu.memref_squeeze %dma_wait3A_22 : memref<1x1x64xi32, #tpu.memory_space<hbm>> -> memref<64xi32, #tpu.memory_space<hbm>>
      %dma_wait3A_24 = arith.constant 0 : i32
      %dma_wait3A_25 = tpu.memref_slice %arg3[%add3A, %run_scoped3A, %dma_wait3A_24] : memref<32x1x64xi32, #tpu.memory_space<hbm>> -> memref<1x1x64xi32, #tpu.memory_space<hbm>>
      %dma_wait3A_26 = tpu.memref_squeeze %dma_wait3A_25 : memref<1x1x64xi32, #tpu.memory_space<hbm>> -> memref<64xi32, #tpu.memory_space<hbm>>
      tpu.wait_dma2 semaphore(%run_scoped3A_14 : memref<!tpu.dma_semaphore, #tpu.memory_space<semaphore_mem>>) src(%dma_wait3A_26 : memref<64xi32, #tpu.memory_space<hbm>>) dst(%arg7 : memref<64xi32, #tpu.memory_space<vmem>>)
      tpu.yield
    }) : () -> ()
    %run_scoped3A_3 = arith.constant 0 : i32
    "tpu.region"() ({
      %run_scoped3A_14 = tpu.sem_alloc : memref<!tpu.dma_semaphore, #tpu.memory_space<semaphore_mem>>
      %dma_start3A_15 = arith.constant 0 : i32
      %dma_start3A_16 = tpu.memref_slice %arg4[%add3A, %run_scoped3A_3, %dma_start3A_15] : memref<32x1x64xi32, #tpu.memory_space<hbm>> -> memref<1x1x64xi32, #tpu.memory_space<hbm>>
      %dma_start3A_17 = tpu.memref_squeeze %dma_start3A_16 : memref<1x1x64xi32, #tpu.memory_space<hbm>> -> memref<64xi32, #tpu.memory_space<hbm>>
      %dma_start3A_18 = arith.constant 0 : i32
      %dma_start3A_19 = tpu.memref_slice %arg4[%add3A, %run_scoped3A_3, %dma_start3A_18] : memref<32x1x64xi32, #tpu.memory_space<hbm>> -> memref<1x1x64xi32, #tpu.memory_space<hbm>>
      %dma_start3A_20 = tpu.memref_squeeze %dma_start3A_19 : memref<1x1x64xi32, #tpu.memory_space<hbm>> -> memref<64xi32, #tpu.memory_space<hbm>>
      tpu.enqueue_dma source(%dma_start3A_20 : memref<64xi32, #tpu.memory_space<hbm>>) target(%arg8 : memref<64xi32, #tpu.memory_space<vmem>>) target_semaphore(%run_scoped3A_14 : memref<!tpu.dma_semaphore, #tpu.memory_space<semaphore_mem>>)
      %dma_wait3A_21 = arith.constant 0 : i32
      %dma_wait3A_22 = tpu.memref_slice %arg4[%add3A, %run_scoped3A_3, %dma_wait3A_21] : memref<32x1x64xi32, #tpu.memory_space<hbm>> -> memref<1x1x64xi32, #tpu.memory_space<hbm>>
      %dma_wait3A_23 = tpu.memref_squeeze %dma_wait3A_22 : memref<1x1x64xi32, #tpu.memory_space<hbm>> -> memref<64xi32, #tpu.memory_space<hbm>>
      %dma_wait3A_24 = arith.constant 0 : i32
      %dma_wait3A_25 = tpu.memref_slice %arg4[%add3A, %run_scoped3A_3, %dma_wait3A_24] : memref<32x1x64xi32, #tpu.memory_space<hbm>> -> memref<1x1x64xi32, #tpu.memory_space<hbm>>
      %dma_wait3A_26 = tpu.memref_squeeze %dma_wait3A_25 : memref<1x1x64xi32, #tpu.memory_space<hbm>> -> memref<64xi32, #tpu.memory_space<hbm>>
      tpu.wait_dma2 semaphore(%run_scoped3A_14 : memref<!tpu.dma_semaphore, #tpu.memory_space<semaphore_mem>>) src(%dma_wait3A_26 : memref<64xi32, #tpu.memory_space<hbm>>) dst(%arg8 : memref<64xi32, #tpu.memory_space<vmem>>)
      tpu.yield
    }) : () -> ()
    %dma_start3A = arith.constant 0 : i32
    %dma_start3A_4 = arith.constant 0 : i32
    %dma_start3A_5 = tpu.memref_slice %arg5[%dma_start3A, %dma_start3A_4] : memref<6144x512xi32, #tpu.memory_space<hbm>> -> memref<6144x512xi32, #tpu.memory_space<hbm>>
    tpu.enqueue_indirect_dma source(%arg6 : memref<64x512xi32, #tpu.memory_space<vmem>>) target(%dma_start3A_5 : memref<6144x512xi32, #tpu.memory_space<hbm>>) offsets(%arg7 : memref<64xi32, #tpu.memory_space<vmem>>) semaphore(%arg9 : memref<!tpu.dma_semaphore, #tpu.memory_space<semaphore_mem>>)
    %dma_start3A_6 = arith.constant 0 : i32
    %dma_start3A_7 = arith.constant 0 : i32
    %dma_start3A_8 = tpu.memref_slice %arg5[%dma_start3A_6, %dma_start3A_7] : memref<6144x512xi32, #tpu.memory_space<hbm>> -> memref<6144x512xi32, #tpu.memory_space<hbm>>
    tpu.enqueue_indirect_dma source(%arg6 : memref<64x512xi32, #tpu.memory_space<vmem>>) target(%dma_start3A_8 : memref<6144x512xi32, #tpu.memory_space<hbm>>) offsets(%arg8 : memref<64xi32, #tpu.memory_space<vmem>>) semaphore(%arg10 : memref<!tpu.dma_semaphore, #tpu.memory_space<semaphore_mem>>)
    %dma_wait3A = arith.constant 0 : i32
    %dma_wait3A_9 = arith.constant 0 : i32
    %dma_wait3A_10 = tpu.memref_slice %arg5[%dma_wait3A, %dma_wait3A_9] : memref<6144x512xi32, #tpu.memory_space<hbm>> -> memref<6144x512xi32, #tpu.memory_space<hbm>>
    tpu.wait_indirect_dma semaphore(%arg9 : memref<!tpu.dma_semaphore, #tpu.memory_space<semaphore_mem>>) src(%arg6 : memref<64x512xi32, #tpu.memory_space<vmem>>) dst(%dma_wait3A_10 : memref<6144x512xi32, #tpu.memory_space<hbm>>)
    %dma_wait3A_11 = arith.constant 0 : i32
    %dma_wait3A_12 = arith.constant 0 : i32
    %dma_wait3A_13 = tpu.memref_slice %arg5[%dma_wait3A_11, %dma_wait3A_12] : memref<6144x512xi32, #tpu.memory_space<hbm>> -> memref<6144x512xi32, #tpu.memory_space<hbm>>
    tpu.wait_indirect_dma semaphore(%arg10 : memref<!tpu.dma_semaphore, #tpu.memory_space<semaphore_mem>>) src(%arg6 : memref<64x512xi32, #tpu.memory_space<vmem>>) dst(%dma_wait3A_13 : memref<6144x512xi32, #tpu.memory_space<hbm>>)
    return
  }
}

module attributes {stable_mosaic.version = 14 : i64} {
  func.func @_grouped_kernel(%arg0: i32, %arg1: memref<32xi32, #tpu.memory_space<smem>>, %arg2: memref<256x512xi32, #tpu.memory_space<vmem>>, %arg3: memref<1x1408x1024xf32, #tpu.memory_space<vmem>>, %arg4: memref<1x1408x1024xf32, #tpu.memory_space<vmem>>, %arg5: memref<1x1024x1408xf32, #tpu.memory_space<vmem>>, %arg6: memref<256x512xi32, #tpu.memory_space<vmem>>, %arg7: memref<1408x1024xbf16, #tpu.memory_space<vmem>>, %arg8: memref<1408x1024xbf16, #tpu.memory_space<vmem>>, %arg9: memref<1024x1408xbf16, #tpu.memory_space<vmem>>) attributes {dimension_semantics = [#tpu.dimension_semantics<arbitrary>], iteration_bounds = array<i64: 24>, scalar_prefetch = 1 : i64, scratch_operands = 3 : i64, tpu.core_type = #tpu.core_type<tc>, window_params = [{transform_indices = @transform_0, window_bounds = array<i64: 256, 512>}, {transform_indices = @transform_1, window_bounds = array<i64: 1, 1408, 1024>}, {transform_indices = @transform_2, window_bounds = array<i64: 1, 1408, 1024>}, {transform_indices = @transform_3, window_bounds = array<i64: 1, 1024, 1408>}, {transform_indices = @transform_4, window_bounds = array<i64: 256, 512>}]} {
    %get3A = arith.index_cast %arg0 : i32 to index
    %get3A_0 = memref.load %arg1[%get3A] : memref<32xi32, #tpu.memory_space<smem>>
    %lt3A = arith.constant 8 : i32
    %lt3A_1 = arith.cmpi slt, %get3A_0, %lt3A : i32
    %convert_element_type3A = arith.extui %lt3A_1 : i1 to i32
    %cond3A = arith.constant 0 : i32
    %cond3A_2 = arith.cmpi ne, %convert_element_type3A, %cond3A : i32
    scf.if %cond3A_2 {
      %sub3A = arith.constant 1 : i32
      %sub3A_3 = arith.subi %arg0, %sub3A : i32
      %max3A = arith.constant 0 : i32
      %max3A_4 = arith.maxsi %sub3A_3, %max3A : i32
      %get3A_5 = arith.index_cast %max3A_4 : i32 to index
      %get3A_6 = memref.load %arg1[%get3A_5] : memref<32xi32, #tpu.memory_space<smem>>
      %eq3A = arith.constant 0 : i32
      %eq3A_7 = arith.cmpi eq, %arg0, %eq3A : i32
      %ne3A = arith.cmpi ne, %get3A_0, %get3A_6 : i32
      %or3A = arith.ori %eq3A_7, %ne3A : i1
      %convert_element_type3A_8 = arith.extui %or3A : i1 to i32
      %cond3A_9 = arith.constant 0 : i32
      %cond3A_10 = arith.cmpi ne, %convert_element_type3A_8, %cond3A_9 : i32
      scf.if %cond3A_10 {
        %get3A_53 = arith.constant 0 : index
        %get3A_54 = arith.constant 0 : index
        %get3A_55 = arith.constant 0 : index
        %get3A_56 = vector.load %arg3[%get3A_53, %get3A_54, %get3A_55] : memref<1x1408x1024xf32, #tpu.memory_space<vmem>>, vector<1x1408x1024xf32>
        %get3A_57 = vector.shape_cast %get3A_56 : vector<1x1408x1024xf32> to vector<1408x1024xf32>
        %convert_element_type3A_58 = arith.truncf %get3A_57 : vector<1408x1024xf32> to vector<1408x1024xbf16>
        %swap3A_59 = arith.constant 0 : index
        %swap3A_60 = arith.constant 0 : index
        %swap3A_61 = vector.load %arg7[%swap3A_59, %swap3A_60] : memref<1408x1024xbf16, #tpu.memory_space<vmem>>, vector<1408x1024xbf16>
        tpu.vector_store %arg7[%swap3A_59, %swap3A_60], %convert_element_type3A_58 {strides = array<i32>} : memref<1408x1024xbf16, #tpu.memory_space<vmem>>, vector<1408x1024xbf16>,
        %get3A_62 = arith.constant 0 : index
        %get3A_63 = arith.constant 0 : index
        %get3A_64 = arith.constant 0 : index
        %get3A_65 = vector.load %arg4[%get3A_62, %get3A_63, %get3A_64] : memref<1x1408x1024xf32, #tpu.memory_space<vmem>>, vector<1x1408x1024xf32>
        %get3A_66 = vector.shape_cast %get3A_65 : vector<1x1408x1024xf32> to vector<1408x1024xf32>
        %convert_element_type3A_67 = arith.truncf %get3A_66 : vector<1408x1024xf32> to vector<1408x1024xbf16>
        %swap3A_68 = arith.constant 0 : index
        %swap3A_69 = arith.constant 0 : index
        %swap3A_70 = vector.load %arg8[%swap3A_68, %swap3A_69] : memref<1408x1024xbf16, #tpu.memory_space<vmem>>, vector<1408x1024xbf16>
        tpu.vector_store %arg8[%swap3A_68, %swap3A_69], %convert_element_type3A_67 {strides = array<i32>} : memref<1408x1024xbf16, #tpu.memory_space<vmem>>, vector<1408x1024xbf16>,
        %get3A_71 = arith.constant 0 : index
        %get3A_72 = arith.constant 0 : index
        %get3A_73 = arith.constant 0 : index
        %get3A_74 = vector.load %arg5[%get3A_71, %get3A_72, %get3A_73] : memref<1x1024x1408xf32, #tpu.memory_space<vmem>>, vector<1x1024x1408xf32>
        %get3A_75 = vector.shape_cast %get3A_74 : vector<1x1024x1408xf32> to vector<1024x1408xf32>
        %convert_element_type3A_76 = arith.truncf %get3A_75 : vector<1024x1408xf32> to vector<1024x1408xbf16>
        %swap3A_77 = arith.constant 0 : index
        %swap3A_78 = arith.constant 0 : index
        %swap3A_79 = vector.load %arg9[%swap3A_77, %swap3A_78] : memref<1024x1408xbf16, #tpu.memory_space<vmem>>, vector<1024x1408xbf16>
        tpu.vector_store %arg9[%swap3A_77, %swap3A_78], %convert_element_type3A_76 {strides = array<i32>} : memref<1024x1408xbf16, #tpu.memory_space<vmem>>, vector<1024x1408xbf16>,
      } else {
      }
      %get3A_11 = arith.constant 0 : index
      %get3A_12 = arith.constant 0 : index
      %get3A_13 = vector.load %arg2[%get3A_11, %get3A_12] : memref<256x512xi32, #tpu.memory_space<vmem>>, vector<256x512xi32>
      %and3A = arith.constant 65535 : i32
      %and3A_14 = vector.broadcast %and3A : i32 to vector<256x512xi32>
      %and3A_15 = arith.andi %get3A_13, %and3A_14 : vector<256x512xi32>
      %convert_element_type3A_16 = arith.trunci %and3A_15 : vector<256x512xi32> to vector<256x512xi16>
      %bitcast_convert_type3A = tpu.bitcast %convert_element_type3A_16 : vector<256x512xi16> -> vector<256x512xbf16>
      %shift_right_logical3A = arith.constant 16 : i32
      %shift_right_logical3A_17 = vector.broadcast %shift_right_logical3A : i32 to vector<256x512xi32>
      %shift_right_logical3A_18 = arith.shrui %get3A_13, %shift_right_logical3A_17 : vector<256x512xi32>
      %convert_element_type3A_19 = arith.trunci %shift_right_logical3A_18 : vector<256x512xi32> to vector<256x512xi16>
      %bitcast_convert_type3A_20 = tpu.bitcast %convert_element_type3A_19 : vector<256x512xi16> -> vector<256x512xbf16>
      %concatenate3A = tpu.concatenate %bitcast_convert_type3A, %bitcast_convert_type3A_20 in 1 : vector<256x512xbf16>, vector<256x512xbf16> -> vector<256x1024xbf16>
      %get3A_21 = arith.constant 0 : index
      %get3A_22 = arith.constant 0 : index
      %get3A_23 = vector.load %arg7[%get3A_21, %get3A_22] : memref<1408x1024xbf16, #tpu.memory_space<vmem>>, vector<1408x1024xbf16>
      %dot_general3A = arith.constant dense<0.000000e+00> : vector<256x1408xf32>
      %dot_general3A_24 = tpu.matmul %concatenate3A, %get3A_23, %dot_general3A {dimension_numbers = #tpu.dot_dimension_numbers<[1], [1], [0], [0], [0, 0, 1, 0], [], []>, transpose_lhs_hint = false} : vector<256x1024xbf16>, vector<1408x1024xbf16>, vector<256x1408xf32> -> vector<256x1408xf32>
      %get3A_25 = arith.constant 0 : index
      %get3A_26 = arith.constant 0 : index
      %get3A_27 = vector.load %arg8[%get3A_25, %get3A_26] : memref<1408x1024xbf16, #tpu.memory_space<vmem>>, vector<1408x1024xbf16>
      %dot_general3A_28 = arith.constant dense<0.000000e+00> : vector<256x1408xf32>
      %dot_general3A_29 = tpu.matmul %concatenate3A, %get3A_27, %dot_general3A_28 {dimension_numbers = #tpu.dot_dimension_numbers<[1], [1], [0], [0], [0, 0, 1, 0], [], []>, transpose_lhs_hint = false} : vector<256x1024xbf16>, vector<1408x1024xbf16>, vector<256x1408xf32> -> vector<256x1408xf32>
      %logistic3A = arith.negf %dot_general3A_24 : vector<256x1408xf32>
      %logistic3A_30 = math.exp %logistic3A : vector<256x1408xf32>
      %logistic3A_31 = arith.constant 1.000000e+00 : f32
      %logistic3A_32 = vector.broadcast %logistic3A_31 : f32 to vector<256x1408xf32>
      %logistic3A_33 = arith.addf %logistic3A_32, %logistic3A_30 : vector<256x1408xf32>
      %logistic3A_34 = arith.divf %logistic3A_32, %logistic3A_33 : vector<256x1408xf32>
      %mul3A = arith.mulf %dot_general3A_24, %logistic3A_34 : vector<256x1408xf32>
      %mul3A_35 = arith.mulf %mul3A, %dot_general3A_29 : vector<256x1408xf32>
      %convert_element_type3A_36 = arith.truncf %mul3A_35 : vector<256x1408xf32> to vector<256x1408xbf16>
      %get3A_37 = arith.constant 0 : index
      %get3A_38 = arith.constant 0 : index
      %get3A_39 = vector.load %arg9[%get3A_37, %get3A_38] : memref<1024x1408xbf16, #tpu.memory_space<vmem>>, vector<1024x1408xbf16>
      %dot_general3A_40 = arith.constant dense<0.000000e+00> : vector<256x1024xf32>
      %dot_general3A_41 = tpu.matmul %convert_element_type3A_36, %get3A_39, %dot_general3A_40 {dimension_numbers = #tpu.dot_dimension_numbers<[1], [1], [0], [0], [0, 0, 1, 0], [], []>, transpose_lhs_hint = false} : vector<256x1408xbf16>, vector<1024x1408xbf16>, vector<256x1024xf32> -> vector<256x1024xf32>
      %convert_element_type3A_42 = arith.truncf %dot_general3A_41 : vector<256x1024xf32> to vector<256x1024xbf16>
      %slice3A = vector.extract_strided_slice %convert_element_type3A_42 {offsets = [0, 0], sizes = [256, 512], strides = [1, 1]} : vector<256x1024xbf16> to vector<256x512xbf16>
      %bitcast_convert_type3A_43 = tpu.bitcast %slice3A : vector<256x512xbf16> -> vector<256x512xi16>
      %convert_element_type3A_44 = arith.extui %bitcast_convert_type3A_43 : vector<256x512xi16> to vector<256x512xi32>
      %slice3A_45 = vector.extract_strided_slice %convert_element_type3A_42 {offsets = [0, 512], sizes = [256, 512], strides = [1, 1]} : vector<256x1024xbf16> to vector<256x512xbf16>
      %bitcast_convert_type3A_46 = tpu.bitcast %slice3A_45 : vector<256x512xbf16> -> vector<256x512xi16>
      %convert_element_type3A_47 = arith.extui %bitcast_convert_type3A_46 : vector<256x512xi16> to vector<256x512xi32>
      %shift_left3A = arith.constant 16 : i32
      %shift_left3A_48 = vector.broadcast %shift_left3A : i32 to vector<256x512xi32>
      %shift_left3A_49 = arith.shli %convert_element_type3A_47, %shift_left3A_48 : vector<256x512xi32>
      %or3A_50 = arith.ori %convert_element_type3A_44, %shift_left3A_49 : vector<256x512xi32>
      %swap3A = arith.constant 0 : index
      %swap3A_51 = arith.constant 0 : index
      %swap3A_52 = vector.load %arg6[%swap3A, %swap3A_51] : memref<256x512xi32, #tpu.memory_space<vmem>>, vector<256x512xi32>
      tpu.vector_store %arg6[%swap3A, %swap3A_51], %or3A_50 {strides = array<i32>} : memref<256x512xi32, #tpu.memory_space<vmem>>, vector<256x512xi32>,
    } else {
    }
    return
  }
  func.func @transform_0(%arg0: i32, %arg1: memref<32xi32, #tpu.memory_space<smem>>) -> (i32, i32) {
    %c0_i32 = arith.constant 0 : i32
    %c0_i32_0 = arith.constant 0 : i32
    return %arg0, %c0_i32 : i32, i32
  }
  func.func @transform_1(%arg0: i32, %arg1: memref<32xi32, #tpu.memory_space<smem>>) -> (i32, i32, i32) {
    %get3A = arith.index_cast %arg0 : i32 to index
    %get3A_0 = memref.load %arg1[%get3A] : memref<32xi32, #tpu.memory_space<smem>>
    %rem3A = arith.constant 8 : i32
    %rem3A_1 = arith.remsi %get3A_0, %rem3A : i32
    %c0_i32 = arith.constant 0 : i32
    %c0_i32_2 = arith.constant 0 : i32
    %c0_i32_3 = arith.constant 0 : i32
    return %rem3A_1, %c0_i32, %c0_i32_2 : i32, i32, i32
  }
  func.func @transform_2(%arg0: i32, %arg1: memref<32xi32, #tpu.memory_space<smem>>) -> (i32, i32, i32) {
    %get3A = arith.index_cast %arg0 : i32 to index
    %get3A_0 = memref.load %arg1[%get3A] : memref<32xi32, #tpu.memory_space<smem>>
    %rem3A = arith.constant 8 : i32
    %rem3A_1 = arith.remsi %get3A_0, %rem3A : i32
    %c0_i32 = arith.constant 0 : i32
    %c0_i32_2 = arith.constant 0 : i32
    %c0_i32_3 = arith.constant 0 : i32
    return %rem3A_1, %c0_i32, %c0_i32_2 : i32, i32, i32
  }
  func.func @transform_3(%arg0: i32, %arg1: memref<32xi32, #tpu.memory_space<smem>>) -> (i32, i32, i32) {
    %get3A = arith.index_cast %arg0 : i32 to index
    %get3A_0 = memref.load %arg1[%get3A] : memref<32xi32, #tpu.memory_space<smem>>
    %rem3A = arith.constant 8 : i32
    %rem3A_1 = arith.remsi %get3A_0, %rem3A : i32
    %c0_i32 = arith.constant 0 : i32
    %c0_i32_2 = arith.constant 0 : i32
    %c0_i32_3 = arith.constant 0 : i32
    return %rem3A_1, %c0_i32, %c0_i32_2 : i32, i32, i32
  }
  func.func @transform_4(%arg0: i32, %arg1: memref<32xi32, #tpu.memory_space<smem>>) -> (i32, i32) {
    %c0_i32 = arith.constant 0 : i32
    %c0_i32_0 = arith.constant 0 : i32
    return %arg0, %c0_i32 : i32, i32
  }
}

module attributes {stable_mosaic.version = 14 : i64} {
  func.func @_combine_kernel(%arg0: i32, %arg1: memref<256x1024xf32, #tpu.memory_space<vmem>>, %arg2: memref<2816x1024xf32, #tpu.memory_space<vmem>>, %arg3: memref<2816x1024xf32, #tpu.memory_space<vmem>>, %arg4: memref<1024x2816xf32, #tpu.memory_space<vmem>>, %arg5: memref<256x512xi32, #tpu.memory_space<vmem>>, %arg6: memref<256x512xi32, #tpu.memory_space<vmem>>, %arg7: memref<256x4xf32, #tpu.memory_space<vmem>>, %arg8: memref<256x1024xf32, #tpu.memory_space<vmem>>, %arg9: memref<2816x1024xbf16, #tpu.memory_space<vmem>>, %arg10: memref<2816x1024xbf16, #tpu.memory_space<vmem>>, %arg11: memref<1024x2816xbf16, #tpu.memory_space<vmem>>) attributes {dimension_semantics = [#tpu.dimension_semantics<arbitrary>], iteration_bounds = array<i64: 8>, scalar_prefetch = 0 : i64, scratch_operands = 3 : i64, tpu.core_type = #tpu.core_type<tc>, window_params = [{transform_indices = @transform_0, window_bounds = array<i64: 256, 1024>}, {pipeline_mode = #tpu.pipeline_mode<synchronous>, transform_indices = @transform_1, window_bounds = array<i64: 2816, 1024>}, {pipeline_mode = #tpu.pipeline_mode<synchronous>, transform_indices = @transform_2, window_bounds = array<i64: 2816, 1024>}, {pipeline_mode = #tpu.pipeline_mode<synchronous>, transform_indices = @transform_3, window_bounds = array<i64: 1024, 2816>}, {transform_indices = @transform_4, window_bounds = array<i64: 256, 512>}, {transform_indices = @transform_5, window_bounds = array<i64: 256, 512>}, {transform_indices = @transform_6, window_bounds = array<i64: 256, 4>}, {transform_indices = @transform_7, window_bounds = array<i64: 256, 1024>}]} {
    %eq3A = arith.constant 0 : i32
    %eq3A_0 = arith.cmpi eq, %arg0, %eq3A : i32
    %convert_element_type3A = arith.extui %eq3A_0 : i1 to i32
    %cond3A = arith.constant 0 : i32
    %cond3A_1 = arith.cmpi ne, %convert_element_type3A, %cond3A : i32
    scf.if %cond3A_1 {
      %get3A_66 = arith.constant 0 : index
      %get3A_67 = arith.constant 0 : index
      %get3A_68 = vector.load %arg2[%get3A_66, %get3A_67] : memref<2816x1024xf32, #tpu.memory_space<vmem>>, vector<2816x1024xf32>
      %convert_element_type3A_69 = arith.truncf %get3A_68 : vector<2816x1024xf32> to vector<2816x1024xbf16>
      %swap3A_70 = arith.constant 0 : index
      %swap3A_71 = arith.constant 0 : index
      %swap3A_72 = vector.load %arg9[%swap3A_70, %swap3A_71] : memref<2816x1024xbf16, #tpu.memory_space<vmem>>, vector<2816x1024xbf16>
      tpu.vector_store %arg9[%swap3A_70, %swap3A_71], %convert_element_type3A_69 {strides = array<i32>} : memref<2816x1024xbf16, #tpu.memory_space<vmem>>, vector<2816x1024xbf16>,
      %get3A_73 = arith.constant 0 : index
      %get3A_74 = arith.constant 0 : index
      %get3A_75 = vector.load %arg3[%get3A_73, %get3A_74] : memref<2816x1024xf32, #tpu.memory_space<vmem>>, vector<2816x1024xf32>
      %convert_element_type3A_76 = arith.truncf %get3A_75 : vector<2816x1024xf32> to vector<2816x1024xbf16>
      %swap3A_77 = arith.constant 0 : index
      %swap3A_78 = arith.constant 0 : index
      %swap3A_79 = vector.load %arg10[%swap3A_77, %swap3A_78] : memref<2816x1024xbf16, #tpu.memory_space<vmem>>, vector<2816x1024xbf16>
      tpu.vector_store %arg10[%swap3A_77, %swap3A_78], %convert_element_type3A_76 {strides = array<i32>} : memref<2816x1024xbf16, #tpu.memory_space<vmem>>, vector<2816x1024xbf16>,
      %get3A_80 = arith.constant 0 : index
      %get3A_81 = arith.constant 0 : index
      %get3A_82 = vector.load %arg4[%get3A_80, %get3A_81] : memref<1024x2816xf32, #tpu.memory_space<vmem>>, vector<1024x2816xf32>
      %convert_element_type3A_83 = arith.truncf %get3A_82 : vector<1024x2816xf32> to vector<1024x2816xbf16>
      %swap3A_84 = arith.constant 0 : index
      %swap3A_85 = arith.constant 0 : index
      %swap3A_86 = vector.load %arg11[%swap3A_84, %swap3A_85] : memref<1024x2816xbf16, #tpu.memory_space<vmem>>, vector<1024x2816xbf16>
      tpu.vector_store %arg11[%swap3A_84, %swap3A_85], %convert_element_type3A_83 {strides = array<i32>} : memref<1024x2816xbf16, #tpu.memory_space<vmem>>, vector<1024x2816xbf16>,
    } else {
    }
    %get3A = arith.constant 0 : index
    %get3A_2 = arith.constant 0 : index
    %get3A_3 = vector.load %arg1[%get3A, %get3A_2] : memref<256x1024xf32, #tpu.memory_space<vmem>>, vector<256x1024xf32>
    %convert_element_type3A_4 = arith.truncf %get3A_3 : vector<256x1024xf32> to vector<256x1024xbf16>
    %get3A_5 = arith.constant 0 : index
    %get3A_6 = arith.constant 0 : index
    %get3A_7 = vector.load %arg9[%get3A_5, %get3A_6] : memref<2816x1024xbf16, #tpu.memory_space<vmem>>, vector<2816x1024xbf16>
    %dot_general3A = arith.constant dense<0.000000e+00> : vector<256x2816xf32>
    %dot_general3A_8 = tpu.matmul %convert_element_type3A_4, %get3A_7, %dot_general3A {dimension_numbers = #tpu.dot_dimension_numbers<[1], [1], [0], [0], [0, 0, 1, 0], [], []>, transpose_lhs_hint = false} : vector<256x1024xbf16>, vector<2816x1024xbf16>, vector<256x2816xf32> -> vector<256x2816xf32>
    %get3A_9 = arith.constant 0 : index
    %get3A_10 = arith.constant 0 : index
    %get3A_11 = vector.load %arg10[%get3A_9, %get3A_10] : memref<2816x1024xbf16, #tpu.memory_space<vmem>>, vector<2816x1024xbf16>
    %dot_general3A_12 = arith.constant dense<0.000000e+00> : vector<256x2816xf32>
    %dot_general3A_13 = tpu.matmul %convert_element_type3A_4, %get3A_11, %dot_general3A_12 {dimension_numbers = #tpu.dot_dimension_numbers<[1], [1], [0], [0], [0, 0, 1, 0], [], []>, transpose_lhs_hint = false} : vector<256x1024xbf16>, vector<2816x1024xbf16>, vector<256x2816xf32> -> vector<256x2816xf32>
    %logistic3A = arith.negf %dot_general3A_8 : vector<256x2816xf32>
    %logistic3A_14 = math.exp %logistic3A : vector<256x2816xf32>
    %logistic3A_15 = arith.constant 1.000000e+00 : f32
    %logistic3A_16 = vector.broadcast %logistic3A_15 : f32 to vector<256x2816xf32>
    %logistic3A_17 = arith.addf %logistic3A_16, %logistic3A_14 : vector<256x2816xf32>
    %logistic3A_18 = arith.divf %logistic3A_16, %logistic3A_17 : vector<256x2816xf32>
    %mul3A = arith.mulf %dot_general3A_8, %logistic3A_18 : vector<256x2816xf32>
    %mul3A_19 = arith.mulf %mul3A, %dot_general3A_13 : vector<256x2816xf32>
    %convert_element_type3A_20 = arith.truncf %mul3A_19 : vector<256x2816xf32> to vector<256x2816xbf16>
    %get3A_21 = arith.constant 0 : index
    %get3A_22 = arith.constant 0 : index
    %get3A_23 = vector.load %arg11[%get3A_21, %get3A_22] : memref<1024x2816xbf16, #tpu.memory_space<vmem>>, vector<1024x2816xbf16>
    %dot_general3A_24 = arith.constant dense<0.000000e+00> : vector<256x1024xf32>
    %dot_general3A_25 = tpu.matmul %convert_element_type3A_20, %get3A_23, %dot_general3A_24 {dimension_numbers = #tpu.dot_dimension_numbers<[1], [1], [0], [0], [0, 0, 1, 0], [], []>, transpose_lhs_hint = false} : vector<256x2816xbf16>, vector<1024x2816xbf16>, vector<256x1024xf32> -> vector<256x1024xf32>
    %get3A_26 = arith.constant 0 : index
    %get3A_27 = arith.constant 0 : index
    %get3A_28 = vector.load %arg7[%get3A_26, %get3A_27] : memref<256x4xf32, #tpu.memory_space<vmem>>, vector<256x4xf32>
    %get3A_29 = arith.constant 0 : index
    %get3A_30 = arith.constant 0 : index
    %get3A_31 = vector.load %arg5[%get3A_29, %get3A_30] : memref<256x512xi32, #tpu.memory_space<vmem>>, vector<256x512xi32>
    %and3A = arith.constant 65535 : i32
    %and3A_32 = vector.broadcast %and3A : i32 to vector<256x512xi32>
    %and3A_33 = arith.andi %get3A_31, %and3A_32 : vector<256x512xi32>
    %convert_element_type3A_34 = arith.trunci %and3A_33 : vector<256x512xi32> to vector<256x512xi16>
    %bitcast_convert_type3A = tpu.bitcast %convert_element_type3A_34 : vector<256x512xi16> -> vector<256x512xbf16>
    %shift_right_logical3A = arith.constant 16 : i32
    %shift_right_logical3A_35 = vector.broadcast %shift_right_logical3A : i32 to vector<256x512xi32>
    %shift_right_logical3A_36 = arith.shrui %get3A_31, %shift_right_logical3A_35 : vector<256x512xi32>
    %convert_element_type3A_37 = arith.trunci %shift_right_logical3A_36 : vector<256x512xi32> to vector<256x512xi16>
    %bitcast_convert_type3A_38 = tpu.bitcast %convert_element_type3A_37 : vector<256x512xi16> -> vector<256x512xbf16>
    %concatenate3A = tpu.concatenate %bitcast_convert_type3A, %bitcast_convert_type3A_38 in 1 : vector<256x512xbf16>, vector<256x512xbf16> -> vector<256x1024xbf16>
    %convert_element_type3A_39 = arith.extf %concatenate3A : vector<256x1024xbf16> to vector<256x1024xf32>
    %get3A_40 = arith.constant 0 : index
    %get3A_41 = arith.constant 0 : index
    %get3A_42 = vector.load %arg6[%get3A_40, %get3A_41] : memref<256x512xi32, #tpu.memory_space<vmem>>, vector<256x512xi32>
    %and3A_43 = arith.constant 65535 : i32
    %and3A_44 = vector.broadcast %and3A_43 : i32 to vector<256x512xi32>
    %and3A_45 = arith.andi %get3A_42, %and3A_44 : vector<256x512xi32>
    %convert_element_type3A_46 = arith.trunci %and3A_45 : vector<256x512xi32> to vector<256x512xi16>
    %bitcast_convert_type3A_47 = tpu.bitcast %convert_element_type3A_46 : vector<256x512xi16> -> vector<256x512xbf16>
    %shift_right_logical3A_48 = arith.constant 16 : i32
    %shift_right_logical3A_49 = vector.broadcast %shift_right_logical3A_48 : i32 to vector<256x512xi32>
    %shift_right_logical3A_50 = arith.shrui %get3A_42, %shift_right_logical3A_49 : vector<256x512xi32>
    %convert_element_type3A_51 = arith.trunci %shift_right_logical3A_50 : vector<256x512xi32> to vector<256x512xi16>
    %bitcast_convert_type3A_52 = tpu.bitcast %convert_element_type3A_51 : vector<256x512xi16> -> vector<256x512xbf16>
    %concatenate3A_53 = tpu.concatenate %bitcast_convert_type3A_47, %bitcast_convert_type3A_52 in 1 : vector<256x512xbf16>, vector<256x512xbf16> -> vector<256x1024xbf16>
    %convert_element_type3A_54 = arith.extf %concatenate3A_53 : vector<256x1024xbf16> to vector<256x1024xf32>
    %slice3A = vector.extract_strided_slice %get3A_28 {offsets = [0, 0], sizes = [256, 1], strides = [1, 1]} : vector<256x4xf32> to vector<256x1xf32>
    %mul3A_55 = vector.broadcast %slice3A : vector<256x1xf32> to vector<256x1024xf32>
    %mul3A_56 = arith.mulf %mul3A_55, %convert_element_type3A_39 : vector<256x1024xf32>
    %slice3A_57 = vector.extract_strided_slice %get3A_28 {offsets = [0, 1], sizes = [256, 1], strides = [1, 1]} : vector<256x4xf32> to vector<256x1xf32>
    %mul3A_58 = vector.broadcast %slice3A_57 : vector<256x1xf32> to vector<256x1024xf32>
    %mul3A_59 = arith.mulf %mul3A_58, %convert_element_type3A_54 : vector<256x1024xf32>
    %add3A = arith.addf %mul3A_56, %mul3A_59 : vector<256x1024xf32>
    %slice3A_60 = vector.extract_strided_slice %get3A_28 {offsets = [0, 2], sizes = [256, 1], strides = [1, 1]} : vector<256x4xf32> to vector<256x1xf32>
    %mul3A_61 = vector.broadcast %slice3A_60 : vector<256x1xf32> to vector<256x1024xf32>
    %mul3A_62 = arith.mulf %mul3A_61, %dot_general3A_25 : vector<256x1024xf32>
    %add3A_63 = arith.addf %add3A, %mul3A_62 : vector<256x1024xf32>
    %swap3A = arith.constant 0 : index
    %swap3A_64 = arith.constant 0 : index
    %swap3A_65 = vector.load %arg8[%swap3A, %swap3A_64] : memref<256x1024xf32, #tpu.memory_space<vmem>>, vector<256x1024xf32>
    tpu.vector_store %arg8[%swap3A, %swap3A_64], %add3A_63 {strides = array<i32>} : memref<256x1024xf32, #tpu.memory_space<vmem>>, vector<256x1024xf32>,
    return
  }
  func.func @transform_0(%arg0: i32) -> (i32, i32) {
    %c0_i32 = arith.constant 0 : i32
    %c0_i32_0 = arith.constant 0 : i32
    return %arg0, %c0_i32 : i32, i32
  }
  func.func @transform_1(%arg0: i32) -> (i32, i32) {
    %c0_i32 = arith.constant 0 : i32
    %c0_i32_0 = arith.constant 0 : i32
    %c0_i32_1 = arith.constant 0 : i32
    return %c0_i32, %c0_i32_0 : i32, i32
  }
  func.func @transform_2(%arg0: i32) -> (i32, i32) {
    %c0_i32 = arith.constant 0 : i32
    %c0_i32_0 = arith.constant 0 : i32
    %c0_i32_1 = arith.constant 0 : i32
    return %c0_i32, %c0_i32_0 : i32, i32
  }
  func.func @transform_3(%arg0: i32) -> (i32, i32) {
    %c0_i32 = arith.constant 0 : i32
    %c0_i32_0 = arith.constant 0 : i32
    %c0_i32_1 = arith.constant 0 : i32
    return %c0_i32, %c0_i32_0 : i32, i32
  }
  func.func @transform_4(%arg0: i32) -> (i32, i32) {
    %c0_i32 = arith.constant 0 : i32
    %c0_i32_0 = arith.constant 0 : i32
    return %arg0, %c0_i32 : i32, i32
  }
  func.func @transform_5(%arg0: i32) -> (i32, i32) {
    %c0_i32 = arith.constant 0 : i32
    %c0_i32_0 = arith.constant 0 : i32
    return %arg0, %c0_i32 : i32, i32
  }
  func.func @transform_6(%arg0: i32) -> (i32, i32) {
    %c0_i32 = arith.constant 0 : i32
    %c0_i32_0 = arith.constant 0 : i32
    return %arg0, %c0_i32 : i32, i32
  }
  func.func @transform_7(%arg0: i32) -> (i32, i32) {
    %c0_i32 = arith.constant 0 : i32
    %c0_i32_0 = arith.constant 0 : i32
    return %arg0, %c0_i32 : i32, i32
  }
}

module attributes {stable_mosaic.version = 14 : i64} {
  func.func @_router_kernel(%arg0: i32, %arg1: i32, %arg2: memref<256x1024xf32, #tpu.memory_space<vmem>>, %arg3: memref<8x1024xf32, #tpu.memory_space<vmem>>, %arg4: memref<1x1024xf32, #tpu.memory_space<vmem>>, %arg5: memref<1x1x256xi32, #tpu.memory_space<vmem>>, %arg6: memref<1x1x256xi32, #tpu.memory_space<vmem>>, %arg7: memref<256x4xf32, #tpu.memory_space<vmem>>, %arg8: memref<1x32xi32, #tpu.memory_space<vmem>>, %arg9: memref<256x512xi32, #tpu.memory_space<vmem>>, %arg10: memref<8x8xf32, #tpu.memory_space<vmem>>, %arg11: memref<2048x8xf32, #tpu.memory_space<vmem>>, %arg12: memref<2048x8xf32, #tpu.memory_space<vmem>>) attributes {dimension_semantics = [#tpu.dimension_semantics<arbitrary>, #tpu.dimension_semantics<arbitrary>], iteration_bounds = array<i64: 2, 8>, scalar_prefetch = 0 : i64, scratch_operands = 3 : i64, tpu.core_type = #tpu.core_type<tc>, window_params = [{transform_indices = @transform_0, window_bounds = array<i64: 256, 1024>}, {pipeline_mode = #tpu.pipeline_mode<synchronous>, transform_indices = @transform_1, window_bounds = array<i64: 8, 1024>}, {pipeline_mode = #tpu.pipeline_mode<synchronous>, transform_indices = @transform_2, window_bounds = array<i64: 1, 1024>}, {transform_indices = @transform_3, window_bounds = array<i64: 1, 1, 256>}, {transform_indices = @transform_4, window_bounds = array<i64: 1, 1, 256>}, {transform_indices = @transform_5, window_bounds = array<i64: 256, 4>}, {pipeline_mode = #tpu.pipeline_mode<synchronous>, transform_indices = @transform_6, window_bounds = array<i64: 1, 32>}, {transform_indices = @transform_7, window_bounds = array<i64: 256, 512>}]} {
    %mul3A = arith.constant 256 : i32
    %mul3A_0 = arith.muli %arg1, %mul3A : i32
    %eq3A = arith.constant 0 : i32
    %eq3A_1 = arith.cmpi eq, %arg0, %eq3A : i32
    %convert_element_type3A = arith.extui %eq3A_1 : i1 to i32
    %cond3A = arith.constant 0 : i32
    %cond3A_2 = arith.cmpi ne, %convert_element_type3A, %cond3A : i32
    scf.if %cond3A_2 {
      %get3A = arith.constant 0 : index
      %get3A_8 = arith.constant 0 : index
      %get3A_9 = vector.load %arg2[%get3A, %get3A_8] : memref<256x1024xf32, #tpu.memory_space<vmem>>, vector<256x1024xf32>
      %convert_element_type3A_10 = arith.truncf %get3A_9 : vector<256x1024xf32> to vector<256x1024xbf16>
      %slice3A = vector.extract_strided_slice %convert_element_type3A_10 {offsets = [0, 0], sizes = [256, 512], strides = [1, 1]} : vector<256x1024xbf16> to vector<256x512xbf16>
      %bitcast_convert_type3A = tpu.bitcast %slice3A : vector<256x512xbf16> -> vector<256x512xi16>
      %convert_element_type3A_11 = arith.extui %bitcast_convert_type3A : vector<256x512xi16> to vector<256x512xi32>
      %slice3A_12 = vector.extract_strided_slice %convert_element_type3A_10 {offsets = [0, 512], sizes = [256, 512], strides = [1, 1]} : vector<256x1024xbf16> to vector<256x512xbf16>
      %bitcast_convert_type3A_13 = tpu.bitcast %slice3A_12 : vector<256x512xbf16> -> vector<256x512xi16>
      %convert_element_type3A_14 = arith.extui %bitcast_convert_type3A_13 : vector<256x512xi16> to vector<256x512xi32>
      %shift_left3A = arith.constant 16 : i32
      %shift_left3A_15 = vector.broadcast %shift_left3A : i32 to vector<256x512xi32>
      %shift_left3A_16 = arith.shli %convert_element_type3A_14, %shift_left3A_15 : vector<256x512xi32>
      %or3A = arith.ori %convert_element_type3A_11, %shift_left3A_16 : vector<256x512xi32>
      %swap3A = arith.constant 0 : index
      %swap3A_17 = arith.constant 0 : index
      %swap3A_18 = vector.load %arg9[%swap3A, %swap3A_17] : memref<256x512xi32, #tpu.memory_space<vmem>>, vector<256x512xi32>
      tpu.vector_store %arg9[%swap3A, %swap3A_17], %or3A {strides = array<i32>} : memref<256x512xi32, #tpu.memory_space<vmem>>, vector<256x512xi32>,
      %get3A_19 = arith.constant 0 : index
      %get3A_20 = arith.constant 0 : index
      %get3A_21 = vector.load %arg3[%get3A_19, %get3A_20] : memref<8x1024xf32, #tpu.memory_space<vmem>>, vector<8x1024xf32>
      %transpose3A = tpu.transpose %get3A_21, [1, 0] : vector<8x1024xf32> -> vector<1024x8xf32>
      %dot_general3A = arith.constant dense<0.000000e+00> : vector<256x8xf32>
      %dot_general3A_22 = tpu.matmul %get3A_9, %transpose3A, %dot_general3A {dimension_numbers = #tpu.dot_dimension_numbers<[1], [0], [0], [1], [0, 0, 1, 1], [], []>, transpose_lhs_hint = false} : vector<256x1024xf32>, vector<1024x8xf32>, vector<256x8xf32> -> vector<256x8xf32>
      %reduce_max3A = arith.constant dense<0xFF800000> : vector<256xf32>
      %reduce_max3A_23 = vector.multi_reduction <maximumf>, %dot_general3A_22, %reduce_max3A [1] : vector<256x8xf32> to vector<256xf32>
      %max3A = arith.constant 0xFF800000 : f32
      %max3A_24 = vector.broadcast %max3A : f32 to vector<256xf32>
      %max3A_25 = arith.maximumf %max3A_24, %reduce_max3A_23 : vector<256xf32>
      %broadcast_in_dim3A = vector.shape_cast %max3A_25 : vector<256xf32> to vector<256x1xf32>
      %sub3A = vector.broadcast %broadcast_in_dim3A : vector<256x1xf32> to vector<256x8xf32>
      %sub3A_26 = arith.subf %dot_general3A_22, %sub3A : vector<256x8xf32>
      %exp3A = math.exp %sub3A_26 : vector<256x8xf32>
      %reduce_sum3A = arith.constant dense<0.000000e+00> : vector<256xf32>
      %reduce_sum3A_27 = vector.multi_reduction <add>, %exp3A, %reduce_sum3A [1] : vector<256x8xf32> to vector<256xf32>
      %broadcast_in_dim3A_28 = vector.shape_cast %reduce_sum3A_27 : vector<256xf32> to vector<256x1xf32>
      %div3A = vector.broadcast %broadcast_in_dim3A_28 : vector<256x1xf32> to vector<256x8xf32>
      %div3A_29 = arith.divf %exp3A, %div3A : vector<256x8xf32>
      %iota3A = tpu.iota {dimensions = array<i32: 1>} : vector<256x8xi32>
      %reduce_max3A_30 = arith.constant dense<0xFF800000> : vector<256xf32>
      %reduce_max3A_31 = vector.multi_reduction <maximumf>, %div3A_29, %reduce_max3A_30 [1] : vector<256x8xf32> to vector<256xf32>
      %broadcast_in_dim3A_32 = vector.shape_cast %reduce_max3A_31 : vector<256xf32> to vector<256x1xf32>
      %eq3A_33 = vector.broadcast %broadcast_in_dim3A_32 : vector<256x1xf32> to vector<256x8xf32>
      %eq3A_34 = arith.cmpf oeq, %div3A_29, %eq3A_33 : vector<256x8xf32>
      %jit3A = arith.constant 8 : i32
      %broadcast_in_dim3A_35 = vector.broadcast %jit3A : i32 to vector<256x8xi32>
      %select_n3A = arith.select %eq3A_34, %iota3A, %broadcast_in_dim3A_35 : vector<256x8xi1>, vector<256x8xi32>
      %reduce_min3A = arith.constant dense<2147483647> : vector<256xi32>
      %reduce_min3A_36 = vector.multi_reduction <minsi>, %select_n3A, %reduce_min3A [1] : vector<256x8xi32> to vector<256xi32>
      %broadcast_in_dim3A_37 = vector.shape_cast %reduce_min3A_36 : vector<256xi32> to vector<256x1xi32>
      %eq3A_38 = vector.broadcast %broadcast_in_dim3A_37 : vector<256x1xi32> to vector<256x8xi32>
      %eq3A_39 = arith.cmpi eq, %iota3A, %eq3A_38 : vector<256x8xi32>
      %jit3A_40 = arith.constant 0xFF800000 : f32
      %broadcast_in_dim3A_41 = vector.broadcast %jit3A_40 : f32 to vector<256x8xf32>
      %select_n3A_42 = arith.select %eq3A_39, %broadcast_in_dim3A_41, %div3A_29 : vector<256x8xi1>, vector<256x8xf32>
      %reduce_max3A_43 = arith.constant dense<0xFF800000> : vector<256xf32>
      %reduce_max3A_44 = vector.multi_reduction <maximumf>, %select_n3A_42, %reduce_max3A_43 [1] : vector<256x8xf32> to vector<256xf32>
      %broadcast_in_dim3A_45 = vector.shape_cast %reduce_max3A_44 : vector<256xf32> to vector<256x1xf32>
      %eq3A_46 = vector.broadcast %broadcast_in_dim3A_45 : vector<256x1xf32> to vector<256x8xf32>
      %eq3A_47 = arith.cmpf oeq, %select_n3A_42, %eq3A_46 : vector<256x8xf32>
      %jit3A_48 = arith.constant 8 : i32
      %broadcast_in_dim3A_49 = vector.broadcast %jit3A_48 : i32 to vector<256x8xi32>
      %select_n3A_50 = arith.select %eq3A_47, %iota3A, %broadcast_in_dim3A_49 : vector<256x8xi1>, vector<256x8xi32>
      %reduce_min3A_51 = arith.constant dense<2147483647> : vector<256xi32>
      %reduce_min3A_52 = vector.multi_reduction <minsi>, %select_n3A_50, %reduce_min3A_51 [1] : vector<256x8xi32> to vector<256xi32>
      %broadcast_in_dim3A_53 = vector.shape_cast %reduce_min3A_52 : vector<256xi32> to vector<256x1xi32>
      %eq3A_54 = vector.broadcast %broadcast_in_dim3A_53 : vector<256x1xi32> to vector<256x8xi32>
      %eq3A_55 = arith.cmpi eq, %iota3A, %eq3A_54 : vector<256x8xi32>
      %convert_element_type3A_56 = arith.extui %eq3A_39 : vector<256x8xi1> to vector<256x8xi32>
      %convert_element_type3A_57 = arith.sitofp %convert_element_type3A_56 : vector<256x8xi32> to vector<256x8xf32>
      %convert_element_type3A_58 = arith.extui %eq3A_55 : vector<256x8xi1> to vector<256x8xi32>
      %convert_element_type3A_59 = arith.sitofp %convert_element_type3A_58 : vector<256x8xi32> to vector<256x8xf32>
      %swap3A_60 = arith.index_cast %mul3A_0 : i32 to index
      %swap3A_61 = arith.constant 0 : index
      %swap3A_62 = vector.load %arg11[%swap3A_60, %swap3A_61] : memref<2048x8xf32, #tpu.memory_space<vmem>>, vector<256x8xf32>
      tpu.vector_store %arg11[%swap3A_60, %swap3A_61], %convert_element_type3A_57 {strides = array<i32>} : memref<2048x8xf32, #tpu.memory_space<vmem>>, vector<256x8xf32>,
      %swap3A_63 = arith.index_cast %mul3A_0 : i32 to index
      %swap3A_64 = arith.constant 0 : index
      %swap3A_65 = vector.load %arg12[%swap3A_63, %swap3A_64] : memref<2048x8xf32, #tpu.memory_space<vmem>>, vector<256x8xf32>
      tpu.vector_store %arg12[%swap3A_63, %swap3A_64], %convert_element_type3A_59 {strides = array<i32>} : memref<2048x8xf32, #tpu.memory_space<vmem>>, vector<256x8xf32>,
      %add3A = arith.addf %convert_element_type3A_57, %convert_element_type3A_59 : vector<256x8xf32>
      %reduce_sum3A_66 = arith.constant dense<0.000000e+00> : vector<8xf32>
      %reduce_sum3A_67 = vector.multi_reduction <add>, %add3A, %reduce_sum3A_66 [0] : vector<256x8xf32> to vector<8xf32>
      %broadcast_in_dim3A_68 = vector.shape_cast %reduce_sum3A_67 : vector<8xf32> to vector<1x8xf32>
      %swap3A_69 = arith.index_cast %arg1 : i32 to index
      %swap3A_70 = arith.constant 0 : index
      %swap3A_71 = vector.load %arg10[%swap3A_69, %swap3A_70] : memref<8x8xf32, #tpu.memory_space<vmem>>, vector<1x8xf32>
      tpu.vector_store %arg10[%swap3A_69, %swap3A_70], %broadcast_in_dim3A_68 {strides = array<i32>} : memref<8x8xf32, #tpu.memory_space<vmem>>, vector<1x8xf32>,
      %jit3A_72 = arith.constant 0.000000e+00 : f32
      %broadcast_in_dim3A_73 = vector.broadcast %jit3A_72 : f32 to vector<256x8xf32>
      %select_n3A_74 = arith.select %eq3A_39, %div3A_29, %broadcast_in_dim3A_73 : vector<256x8xi1>, vector<256x8xf32>
      %reduce_sum3A_75 = arith.constant dense<0.000000e+00> : vector<256xf32>
      %reduce_sum3A_76 = vector.multi_reduction <add>, %select_n3A_74, %reduce_sum3A_75 [1] : vector<256x8xf32> to vector<256xf32>
      %broadcast_in_dim3A_77 = vector.shape_cast %reduce_sum3A_76 : vector<256xf32> to vector<256x1xf32>
      %jit3A_78 = arith.constant 0.000000e+00 : f32
      %broadcast_in_dim3A_79 = vector.broadcast %jit3A_78 : f32 to vector<256x8xf32>
      %select_n3A_80 = arith.select %eq3A_55, %div3A_29, %broadcast_in_dim3A_79 : vector<256x8xi1>, vector<256x8xf32>
      %reduce_sum3A_81 = arith.constant dense<0.000000e+00> : vector<256xf32>
      %reduce_sum3A_82 = vector.multi_reduction <add>, %select_n3A_80, %reduce_sum3A_81 [1] : vector<256x8xf32> to vector<256xf32>
      %broadcast_in_dim3A_83 = vector.shape_cast %reduce_sum3A_82 : vector<256xf32> to vector<256x1xf32>
      %get3A_84 = arith.constant 0 : index
      %get3A_85 = arith.constant 0 : index
      %get3A_86 = vector.load %arg4[%get3A_84, %get3A_85] : memref<1x1024xf32, #tpu.memory_space<vmem>>, vector<1x1024xf32>
      %transpose3A_87 = tpu.transpose %get3A_86, [1, 0] : vector<1x1024xf32> -> vector<1024x1xf32>
      %dot_general3A_88 = arith.constant dense<0.000000e+00> : vector<256x1xf32>
      %dot_general3A_89 = tpu.matmul %get3A_9, %transpose3A_87, %dot_general3A_88 {dimension_numbers = #tpu.dot_dimension_numbers<[1], [0], [0], [1], [0, 0, 1, 1], [], []>, transpose_lhs_hint = false} : vector<256x1024xf32>, vector<1024x1xf32>, vector<256x1xf32> -> vector<256x1xf32>
      %logistic3A = arith.negf %dot_general3A_89 : vector<256x1xf32>
      %logistic3A_90 = math.exp %logistic3A : vector<256x1xf32>
      %logistic3A_91 = arith.constant 1.000000e+00 : f32
      %logistic3A_92 = vector.broadcast %logistic3A_91 : f32 to vector<256x1xf32>
      %logistic3A_93 = arith.addf %logistic3A_92, %logistic3A_90 : vector<256x1xf32>
      %logistic3A_94 = arith.divf %logistic3A_92, %logistic3A_93 : vector<256x1xf32>
      %broadcast_in_dim3A_95 = arith.constant 0.000000e+00 : f32
      %broadcast_in_dim3A_96 = vector.broadcast %broadcast_in_dim3A_95 : f32 to vector<256x1xf32>
      %concatenate3A = tpu.concatenate %broadcast_in_dim3A_77, %broadcast_in_dim3A_83, %logistic3A_94, %broadcast_in_dim3A_96 in 1 : vector<256x1xf32>, vector<256x1xf32>, vector<256x1xf32>, vector<256x1xf32> -> vector<256x4xf32>
      %swap3A_97 = arith.constant 0 : index
      %swap3A_98 = arith.constant 0 : index
      %swap3A_99 = vector.load %arg7[%swap3A_97, %swap3A_98] : memref<256x4xf32, #tpu.memory_space<vmem>>, vector<256x4xf32>
      tpu.vector_store %arg7[%swap3A_97, %swap3A_98], %concatenate3A {strides = array<i32>} : memref<256x4xf32, #tpu.memory_space<vmem>>, vector<256x4xf32>,
    } else {
    }
    %eq3A_3 = arith.constant 1 : i32
    %eq3A_4 = arith.cmpi eq, %arg0, %eq3A_3 : i32
    %convert_element_type3A_5 = arith.extui %eq3A_4 : i1 to i32
    %cond3A_6 = arith.constant 0 : i32
    %cond3A_7 = arith.cmpi ne, %convert_element_type3A_5, %cond3A_6 : i32
    scf.if %cond3A_7 {
      %get3A = arith.index_cast %mul3A_0 : i32 to index
      %get3A_8 = arith.constant 0 : index
      %get3A_9 = vector.load %arg11[%get3A, %get3A_8] : memref<2048x8xf32, #tpu.memory_space<vmem>>, vector<256x8xf32>
      %get3A_10 = arith.index_cast %mul3A_0 : i32 to index
      %get3A_11 = arith.constant 0 : index
      %get3A_12 = vector.load %arg12[%get3A_10, %get3A_11] : memref<2048x8xf32, #tpu.memory_space<vmem>>, vector<256x8xf32>
      %gt3A = arith.constant 5.000000e-01 : f32
      %gt3A_13 = vector.broadcast %gt3A : f32 to vector<256x8xf32>
      %gt3A_14 = arith.cmpf ogt, %get3A_9, %gt3A_13 : vector<256x8xf32>
      %gt3A_15 = arith.constant 5.000000e-01 : f32
      %gt3A_16 = vector.broadcast %gt3A_15 : f32 to vector<256x8xf32>
      %gt3A_17 = arith.cmpf ogt, %get3A_12, %gt3A_16 : vector<256x8xf32>
      %add3A = arith.addf %get3A_9, %get3A_12 : vector<256x8xf32>
      %iota3A = tpu.iota {dimensions = array<i32: 0>} : vector<8x8xi32>
      %get3A_18 = arith.constant 0 : index
      %get3A_19 = arith.constant 0 : index
      %get3A_20 = vector.load %arg10[%get3A_18, %get3A_19] : memref<8x8xf32, #tpu.memory_space<vmem>>, vector<8x8xf32>
      %lt3A = vector.broadcast %arg1 : i32 to vector<8x8xi32>
      %lt3A_21 = arith.cmpi slt, %iota3A, %lt3A : vector<8x8xi32>
      %jit3A = arith.constant 0.000000e+00 : f32
      %broadcast_in_dim3A = vector.broadcast %jit3A : f32 to vector<8x8xf32>
      %select_n3A = arith.select %lt3A_21, %get3A_20, %broadcast_in_dim3A : vector<8x8xi1>, vector<8x8xf32>
      %reduce_sum3A = arith.constant dense<0.000000e+00> : vector<8xf32>
      %reduce_sum3A_22 = vector.multi_reduction <add>, %select_n3A, %reduce_sum3A [0] : vector<8x8xf32> to vector<8xf32>
      %broadcast_in_dim3A_23 = vector.shape_cast %reduce_sum3A_22 : vector<8xf32> to vector<1x8xf32>
      %reduce_sum3A_24 = arith.constant dense<0.000000e+00> : vector<8xf32>
      %reduce_sum3A_25 = vector.multi_reduction <add>, %get3A_20, %reduce_sum3A_24 [0] : vector<8x8xf32> to vector<8xf32>
      %broadcast_in_dim3A_26 = vector.shape_cast %reduce_sum3A_25 : vector<8xf32> to vector<1x8xf32>
      %add3A_27 = arith.constant 2.550000e+02 : f32
      %add3A_28 = vector.broadcast %add3A_27 : f32 to vector<1x8xf32>
      %add3A_29 = arith.addf %broadcast_in_dim3A_26, %add3A_28 : vector<1x8xf32>
      %div3A = arith.constant 2.560000e+02 : f32
      %div3A_30 = vector.broadcast %div3A : f32 to vector<1x8xf32>
      %div3A_31 = arith.divf %add3A_29, %div3A_30 : vector<1x8xf32>
      %floor3A = math.floor %div3A_31 : vector<1x8xf32>
      %mul3A_32 = arith.constant 2.560000e+02 : f32
      %mul3A_33 = vector.broadcast %mul3A_32 : f32 to vector<1x8xf32>
      %mul3A_34 = arith.mulf %mul3A_33, %floor3A : vector<1x8xf32>
      %iota3A_35 = tpu.iota {dimensions = array<i32: 0>} : vector<8x8xi32>
      %iota3A_36 = tpu.iota {dimensions = array<i32: 1>} : vector<8x8xi32>
      %lt3A_37 = arith.cmpi slt, %iota3A_35, %iota3A_36 : vector<8x8xi32>
      %convert_element_type3A_38 = arith.extui %lt3A_37 : vector<8x8xi1> to vector<8x8xi32>
      %convert_element_type3A_39 = arith.sitofp %convert_element_type3A_38 : vector<8x8xi32> to vector<8x8xf32>
      %dot_general3A = arith.constant dense<0.000000e+00> : vector<1x8xf32>
      %dot_general3A_40 = tpu.matmul %mul3A_34, %convert_element_type3A_39, %dot_general3A {dimension_numbers = #tpu.dot_dimension_numbers<[1], [0], [0], [1], [0, 0, 1, 1], [], []>, transpose_lhs_hint = false} : vector<1x8xf32>, vector<8x8xf32>, vector<1x8xf32> -> vector<1x8xf32>
      %round3A = math.roundeven %dot_general3A_40 : vector<1x8xf32>
      %iota3A_41 = tpu.iota {dimensions = array<i32: 0>} : vector<256x256xi32>
      %iota3A_42 = tpu.iota {dimensions = array<i32: 1>} : vector<256x256xi32>
      %lt3A_43 = arith.cmpi slt, %iota3A_42, %iota3A_41 : vector<256x256xi32>
      %convert_element_type3A_44 = arith.extui %lt3A_43 : vector<256x256xi1> to vector<256x256xi32>
      %convert_element_type3A_45 = arith.sitofp %convert_element_type3A_44 : vector<256x256xi32> to vector<256x256xf32>
      %dot_general3A_46 = arith.constant dense<0.000000e+00> : vector<256x8xf32>
      %dot_general3A_47 = tpu.matmul %convert_element_type3A_45, %add3A, %dot_general3A_46 {dimension_numbers = #tpu.dot_dimension_numbers<[1], [0], [0], [1], [0, 0, 1, 1], [], []>, transpose_lhs_hint = false} : vector<256x256xf32>, vector<256x8xf32>, vector<256x8xf32> -> vector<256x8xf32>
      %round3A_48 = math.roundeven %dot_general3A_47 : vector<256x8xf32>
      %add3A_49 = arith.addf %round3A, %broadcast_in_dim3A_23 : vector<1x8xf32>
      %add3A_50 = vector.broadcast %add3A_49 : vector<1x8xf32> to vector<256x8xf32>
      %add3A_51 = arith.addf %add3A_50, %round3A_48 : vector<256x8xf32>
      %jit3A_52 = arith.constant 0.000000e+00 : f32
      %broadcast_in_dim3A_53 = vector.broadcast %jit3A_52 : f32 to vector<256x8xf32>
      %select_n3A_54 = arith.select %gt3A_14, %add3A_51, %broadcast_in_dim3A_53 : vector<256x8xi1>, vector<256x8xf32>
      %reduce_sum3A_55 = arith.constant dense<0.000000e+00> : vector<256xf32>
      %reduce_sum3A_56 = vector.multi_reduction <add>, %select_n3A_54, %reduce_sum3A_55 [1] : vector<256x8xf32> to vector<256xf32>
      %broadcast_in_dim3A_57 = vector.shape_cast %reduce_sum3A_56 : vector<256xf32> to vector<256x1xf32>
      %jit3A_58 = arith.constant 0.000000e+00 : f32
      %broadcast_in_dim3A_59 = vector.broadcast %jit3A_58 : f32 to vector<256x8xf32>
      %select_n3A_60 = arith.select %gt3A_17, %add3A_51, %broadcast_in_dim3A_59 : vector<256x8xi1>, vector<256x8xf32>
      %reduce_sum3A_61 = arith.constant dense<0.000000e+00> : vector<256xf32>
      %reduce_sum3A_62 = vector.multi_reduction <add>, %select_n3A_60, %reduce_sum3A_61 [1] : vector<256x8xf32> to vector<256xf32>
      %broadcast_in_dim3A_63 = vector.shape_cast %reduce_sum3A_62 : vector<256xf32> to vector<256x1xf32>
      %convert_element_type3A_64 = arith.fptosi %broadcast_in_dim3A_57 : vector<256x1xf32> to vector<256x1xi32>
      %transpose3A = tpu.transpose %convert_element_type3A_64, [1, 0] : vector<256x1xi32> -> vector<1x256xi32>
      %reshape3A = vector.shape_cast %transpose3A : vector<1x256xi32> to vector<1x1x256xi32>
      %swap3A = arith.constant 0 : index
      %swap3A_65 = arith.constant 0 : index
      %swap3A_66 = arith.constant 0 : index
      %swap3A_67 = vector.load %arg5[%swap3A, %swap3A_65, %swap3A_66] : memref<1x1x256xi32, #tpu.memory_space<vmem>>, vector<1x1x256xi32>
      tpu.vector_store %arg5[%swap3A, %swap3A_65, %swap3A_66], %reshape3A {strides = array<i32>} : memref<1x1x256xi32, #tpu.memory_space<vmem>>, vector<1x1x256xi32>,
      %convert_element_type3A_68 = arith.fptosi %broadcast_in_dim3A_63 : vector<256x1xf32> to vector<256x1xi32>
      %transpose3A_69 = tpu.transpose %convert_element_type3A_68, [1, 0] : vector<256x1xi32> -> vector<1x256xi32>
      %reshape3A_70 = vector.shape_cast %transpose3A_69 : vector<1x256xi32> to vector<1x1x256xi32>
      %swap3A_71 = arith.constant 0 : index
      %swap3A_72 = arith.constant 0 : index
      %swap3A_73 = arith.constant 0 : index
      %swap3A_74 = vector.load %arg6[%swap3A_71, %swap3A_72, %swap3A_73] : memref<1x1x256xi32, #tpu.memory_space<vmem>>, vector<1x1x256xi32>
      tpu.vector_store %arg6[%swap3A_71, %swap3A_72, %swap3A_73], %reshape3A_70 {strides = array<i32>} : memref<1x1x256xi32, #tpu.memory_space<vmem>>, vector<1x1x256xi32>,
      %eq3A_75 = arith.constant 7 : i32
      %eq3A_76 = arith.cmpi eq, %arg1, %eq3A_75 : i32
      %convert_element_type3A_77 = arith.extui %eq3A_76 : i1 to i32
      %cond3A_78 = arith.constant 0 : i32
      %cond3A_79 = arith.cmpi ne, %convert_element_type3A_77, %cond3A_78 : i32
      scf.if %cond3A_79 {
        %iota3A_80 = tpu.iota {dimensions = array<i32: 1>} : vector<1x32xi32>
        %convert_element_type3A_81 = arith.sitofp %iota3A_80 : vector<1x32xi32> to vector<1x32xf32>
        %add3A_82 = arith.addf %round3A, %mul3A_34 : vector<1x8xf32>
        %div3A_83 = arith.constant 2.560000e+02 : f32
        %div3A_84 = vector.broadcast %div3A_83 : f32 to vector<1x8xf32>
        %div3A_85 = arith.divf %add3A_82, %div3A_84 : vector<1x8xf32>
        %broadcast_in_dim3A_86 = arith.constant 0.000000e+00 : f32
        %broadcast_in_dim3A_87 = vector.broadcast %broadcast_in_dim3A_86 : f32 to vector<1x32xf32>
        %slice3A = vector.extract_strided_slice %div3A_85 {offsets = [0, 0], sizes = [1, 1], strides = [1, 1]} : vector<1x8xf32> to vector<1x1xf32>
        %squeeze3A = vector.extract %slice3A[0, 0] : f32 from vector<1x1xf32>
        %ge3A = vector.broadcast %squeeze3A : f32 to vector<1x32xf32>
        %ge3A_88 = arith.cmpf oge, %convert_element_type3A_81, %ge3A : vector<1x32xf32>
        %convert_element_type3A_89 = arith.extui %ge3A_88 : vector<1x32xi1> to vector<1x32xi32>
        %convert_element_type3A_90 = arith.sitofp %convert_element_type3A_89 : vector<1x32xi32> to vector<1x32xf32>
        %add3A_91 = arith.addf %broadcast_in_dim3A_87, %convert_element_type3A_90 : vector<1x32xf32>
        %slice3A_92 = vector.extract_strided_slice %div3A_85 {offsets = [0, 1], sizes = [1, 1], strides = [1, 1]} : vector<1x8xf32> to vector<1x1xf32>
        %squeeze3A_93 = vector.extract %slice3A_92[0, 0] : f32 from vector<1x1xf32>
        %ge3A_94 = vector.broadcast %squeeze3A_93 : f32 to vector<1x32xf32>
        %ge3A_95 = arith.cmpf oge, %convert_element_type3A_81, %ge3A_94 : vector<1x32xf32>
        %convert_element_type3A_96 = arith.extui %ge3A_95 : vector<1x32xi1> to vector<1x32xi32>
        %convert_element_type3A_97 = arith.sitofp %convert_element_type3A_96 : vector<1x32xi32> to vector<1x32xf32>
        %add3A_98 = arith.addf %add3A_91, %convert_element_type3A_97 : vector<1x32xf32>
        %slice3A_99 = vector.extract_strided_slice %div3A_85 {offsets = [0, 2], sizes = [1, 1], strides = [1, 1]} : vector<1x8xf32> to vector<1x1xf32>
        %squeeze3A_100 = vector.extract %slice3A_99[0, 0] : f32 from vector<1x1xf32>
        %ge3A_101 = vector.broadcast %squeeze3A_100 : f32 to vector<1x32xf32>
        %ge3A_102 = arith.cmpf oge, %convert_element_type3A_81, %ge3A_101 : vector<1x32xf32>
        %convert_element_type3A_103 = arith.extui %ge3A_102 : vector<1x32xi1> to vector<1x32xi32>
        %convert_element_type3A_104 = arith.sitofp %convert_element_type3A_103 : vector<1x32xi32> to vector<1x32xf32>
        %add3A_105 = arith.addf %add3A_98, %convert_element_type3A_104 : vector<1x32xf32>
        %slice3A_106 = vector.extract_strided_slice %div3A_85 {offsets = [0, 3], sizes = [1, 1], strides = [1, 1]} : vector<1x8xf32> to vector<1x1xf32>
        %squeeze3A_107 = vector.extract %slice3A_106[0, 0] : f32 from vector<1x1xf32>
        %ge3A_108 = vector.broadcast %squeeze3A_107 : f32 to vector<1x32xf32>
        %ge3A_109 = arith.cmpf oge, %convert_element_type3A_81, %ge3A_108 : vector<1x32xf32>
        %convert_element_type3A_110 = arith.extui %ge3A_109 : vector<1x32xi1> to vector<1x32xi32>
        %convert_element_type3A_111 = arith.sitofp %convert_element_type3A_110 : vector<1x32xi32> to vector<1x32xf32>
        %add3A_112 = arith.addf %add3A_105, %convert_element_type3A_111 : vector<1x32xf32>
        %slice3A_113 = vector.extract_strided_slice %div3A_85 {offsets = [0, 4], sizes = [1, 1], strides = [1, 1]} : vector<1x8xf32> to vector<1x1xf32>
        %squeeze3A_114 = vector.extract %slice3A_113[0, 0] : f32 from vector<1x1xf32>
        %ge3A_115 = vector.broadcast %squeeze3A_114 : f32 to vector<1x32xf32>
        %ge3A_116 = arith.cmpf oge, %convert_element_type3A_81, %ge3A_115 : vector<1x32xf32>
        %convert_element_type3A_117 = arith.extui %ge3A_116 : vector<1x32xi1> to vector<1x32xi32>
        %convert_element_type3A_118 = arith.sitofp %convert_element_type3A_117 : vector<1x32xi32> to vector<1x32xf32>
        %add3A_119 = arith.addf %add3A_112, %convert_element_type3A_118 : vector<1x32xf32>
        %slice3A_120 = vector.extract_strided_slice %div3A_85 {offsets = [0, 5], sizes = [1, 1], strides = [1, 1]} : vector<1x8xf32> to vector<1x1xf32>
        %squeeze3A_121 = vector.extract %slice3A_120[0, 0] : f32 from vector<1x1xf32>
        %ge3A_122 = vector.broadcast %squeeze3A_121 : f32 to vector<1x32xf32>
        %ge3A_123 = arith.cmpf oge, %convert_element_type3A_81, %ge3A_122 : vector<1x32xf32>
        %convert_element_type3A_124 = arith.extui %ge3A_123 : vector<1x32xi1> to vector<1x32xi32>
        %convert_element_type3A_125 = arith.sitofp %convert_element_type3A_124 : vector<1x32xi32> to vector<1x32xf32>
        %add3A_126 = arith.addf %add3A_119, %convert_element_type3A_125 : vector<1x32xf32>
        %slice3A_127 = vector.extract_strided_slice %div3A_85 {offsets = [0, 6], sizes = [1, 1], strides = [1, 1]} : vector<1x8xf32> to vector<1x1xf32>
        %squeeze3A_128 = vector.extract %slice3A_127[0, 0] : f32 from vector<1x1xf32>
        %ge3A_129 = vector.broadcast %squeeze3A_128 : f32 to vector<1x32xf32>
        %ge3A_130 = arith.cmpf oge, %convert_element_type3A_81, %ge3A_129 : vector<1x32xf32>
        %convert_element_type3A_131 = arith.extui %ge3A_130 : vector<1x32xi1> to vector<1x32xi32>
        %convert_element_type3A_132 = arith.sitofp %convert_element_type3A_131 : vector<1x32xi32> to vector<1x32xf32>
        %add3A_133 = arith.addf %add3A_126, %convert_element_type3A_132 : vector<1x32xf32>
        %slice3A_134 = vector.extract_strided_slice %div3A_85 {offsets = [0, 7], sizes = [1, 1], strides = [1, 1]} : vector<1x8xf32> to vector<1x1xf32>
        %squeeze3A_135 = vector.extract %slice3A_134[0, 0] : f32 from vector<1x1xf32>
        %ge3A_136 = vector.broadcast %squeeze3A_135 : f32 to vector<1x32xf32>
        %ge3A_137 = arith.cmpf oge, %convert_element_type3A_81, %ge3A_136 : vector<1x32xf32>
        %convert_element_type3A_138 = arith.extui %ge3A_137 : vector<1x32xi1> to vector<1x32xi32>
        %convert_element_type3A_139 = arith.sitofp %convert_element_type3A_138 : vector<1x32xi32> to vector<1x32xf32>
        %add3A_140 = arith.addf %add3A_133, %convert_element_type3A_139 : vector<1x32xf32>
        %iota3A_141 = tpu.iota {dimensions = array<i32: 1>} : vector<1x8xi32>
        %convert_element_type3A_142 = arith.sitofp %iota3A_141 : vector<1x8xi32> to vector<1x8xf32>
        %gt3A_143 = arith.constant 0.000000e+00 : f32
        %gt3A_144 = vector.broadcast %gt3A_143 : f32 to vector<1x8xf32>
        %gt3A_145 = arith.cmpf ogt, %mul3A_34, %gt3A_144 : vector<1x8xf32>
        %jit3A_146 = arith.constant -1.000000e+00 : f32
        %broadcast_in_dim3A_147 = vector.broadcast %jit3A_146 : f32 to vector<1x8xf32>
        %select_n3A_148 = arith.select %gt3A_145, %convert_element_type3A_142, %broadcast_in_dim3A_147 : vector<1x8xi1>, vector<1x8xf32>
        %reduce_max3A = vector.shape_cast %select_n3A_148 : vector<1x8xf32> to vector<1x1x8xf32>
        %reduce_max3A_149 = arith.constant dense<0xFF800000> : vector<1xf32>
        %reduce_max3A_150 = vector.multi_reduction <maximumf>, %reduce_max3A, %reduce_max3A_149 [1, 2] : vector<1x1x8xf32> to vector<1xf32>
        %reduce_max3A_151 = vector.shape_cast %reduce_max3A_150 : vector<1xf32> to vector<1x1x1xf32>
        %reduce_max3A_152 = vector.extract %reduce_max3A_151[0, 0, 0] : f32 from vector<1x1x1xf32>
        %lt3A_153 = arith.constant 8.000000e+00 : f32
        %lt3A_154 = vector.broadcast %lt3A_153 : f32 to vector<1x32xf32>
        %lt3A_155 = arith.cmpf olt, %add3A_140, %lt3A_154 : vector<1x32xf32>
        %add3A_156 = arith.constant 8.000000e+00 : f32
        %add3A_157 = arith.addf %reduce_max3A_152, %add3A_156 : f32
        %broadcast_in_dim3A_158 = vector.broadcast %add3A_157 : f32 to vector<1x32xf32>
        %select_n3A_159 = arith.select %lt3A_155, %add3A_140, %broadcast_in_dim3A_158 : vector<1x32xi1>, vector<1x32xf32>
        %convert_element_type3A_160 = arith.fptosi %select_n3A_159 : vector<1x32xf32> to vector<1x32xi32>
        %swap3A_161 = arith.constant 0 : index
        %swap3A_162 = arith.constant 0 : index
        %swap3A_163 = vector.load %arg8[%swap3A_161, %swap3A_162] : memref<1x32xi32, #tpu.memory_space<vmem>>, vector<1x32xi32>
        tpu.vector_store %arg8[%swap3A_161, %swap3A_162], %convert_element_type3A_160 {strides = array<i32>} : memref<1x32xi32, #tpu.memory_space<vmem>>, vector<1x32xi32>,
      } else {
      }
    } else {
    }
    return
  }
  func.func @transform_0(%arg0: i32, %arg1: i32) -> (i32, i32) {
    %eq3A = arith.constant 0 : i32
    %eq3A_0 = arith.cmpi eq, %arg0, %eq3A : i32
    %jit3A = arith.constant 7 : i32
    %select_n3A = arith.select %eq3A_0, %arg1, %jit3A : i32
    %c0_i32 = arith.constant 0 : i32
    %c0_i32_1 = arith.constant 0 : i32
    return %select_n3A, %c0_i32 : i32, i32
  }
  func.func @transform_1(%arg0: i32, %arg1: i32) -> (i32, i32) {
    %c0_i32 = arith.constant 0 : i32
    %c0_i32_0 = arith.constant 0 : i32
    %c0_i32_1 = arith.constant 0 : i32
    return %c0_i32, %c0_i32_0 : i32, i32
  }
  func.func @transform_2(%arg0: i32, %arg1: i32) -> (i32, i32) {
    %c0_i32 = arith.constant 0 : i32
    %c0_i32_0 = arith.constant 0 : i32
    %c0_i32_1 = arith.constant 0 : i32
    return %c0_i32, %c0_i32_0 : i32, i32
  }
  func.func @transform_3(%arg0: i32, %arg1: i32) -> (i32, i32, i32) {
    %eq3A = arith.constant 1 : i32
    %eq3A_0 = arith.cmpi eq, %arg0, %eq3A : i32
    %jit3A = arith.constant 0 : i32
    %select_n3A = arith.select %eq3A_0, %arg1, %jit3A : i32
    %c0_i32 = arith.constant 0 : i32
    %c0_i32_1 = arith.constant 0 : i32
    %c0_i32_2 = arith.constant 0 : i32
    return %select_n3A, %c0_i32, %c0_i32_1 : i32, i32, i32
  }
  func.func @transform_4(%arg0: i32, %arg1: i32) -> (i32, i32, i32) {
    %eq3A = arith.constant 1 : i32
    %eq3A_0 = arith.cmpi eq, %arg0, %eq3A : i32
    %jit3A = arith.constant 0 : i32
    %select_n3A = arith.select %eq3A_0, %arg1, %jit3A : i32
    %c0_i32 = arith.constant 0 : i32
    %c0_i32_1 = arith.constant 0 : i32
    %c0_i32_2 = arith.constant 0 : i32
    return %select_n3A, %c0_i32, %c0_i32_1 : i32, i32, i32
  }
  func.func @transform_5(%arg0: i32, %arg1: i32) -> (i32, i32) {
    %eq3A = arith.constant 0 : i32
    %eq3A_0 = arith.cmpi eq, %arg0, %eq3A : i32
    %jit3A = arith.constant 7 : i32
    %select_n3A = arith.select %eq3A_0, %arg1, %jit3A : i32
    %c0_i32 = arith.constant 0 : i32
    %c0_i32_1 = arith.constant 0 : i32
    return %select_n3A, %c0_i32 : i32, i32
  }
  func.func @transform_6(%arg0: i32, %arg1: i32) -> (i32, i32) {
    %c0_i32 = arith.constant 0 : i32
    %c0_i32_0 = arith.constant 0 : i32
    %c0_i32_1 = arith.constant 0 : i32
    return %c0_i32, %c0_i32_0 : i32, i32
  }
  func.func @transform_7(%arg0: i32, %arg1: i32) -> (i32, i32) {
    %eq3A = arith.constant 0 : i32
    %eq3A_0 = arith.cmpi eq, %arg0, %eq3A : i32
    %jit3A = arith.constant 7 : i32
    %select_n3A = arith.select %eq3A_0, %arg1, %jit3A : i32
    %c0_i32 = arith.constant 0 : i32
    %c0_i32_1 = arith.constant 0 : i32
    return %select_n3A, %c0_i32 : i32, i32
  }
}

</mosaic_0001>

<sc_bundles>
// kernel: kernel.10.cloned.1.call-start
scs
__scs_entry_jumppad:
0x0: {  	(pc) =	sbr.rel $0x88, $3  }
0x1: {  	(tag) =	ssettag $0x0;
	lr =	simm.s32 $0x1  }
0x2: {  	[smem:$0x3F98] =	sst lr;
	_ =	strace $0xD0000000  }
0x3: {  	_ = 	snop  }
0x4: {  	_ = 	snop  }
0x5: {  	_ = 	snop  }
0x6: {  	_ = 	snop  }
0x7: {  	_ = 	snop  }
__scs_overlays_trampoline_lowered:
0x8: {  	[smem:$0x3FA7] =	sst s0  }
0x9: {  	[smem:$0x3FA8] =	sst s1  }
0xa: {  	[smem:$0x3FA9] =	sst s2  }
0xb: {  	[smem:$0x3FAA] =	sst s3  }
0xc: {  	[smem:$0x3FAB] =	sst s4  }
0xd: {  	[smem:$0x3FAC] =	sst s5  }
0xe: {  	[smem:$0x3FAD] =	sst s6  }
0xf: {  	[smem:$0x3FAE] =	sst s7  }
0x10: {  	[smem:$0x3FAF] =	sst s8  }
0x11: {  	[smem:$0x3FB0] =	sst s9;
	s0 =	simm.s32 @!p0 $0x0  }
0x12: {  	s1 =	sld [smem:$0x3F96];
	s0 =	simm.s32 @p0 $0x1  }
0x13: {  	[smem:$0x3FB1] =	sst s0;
	s0 =	simm.s32 @!p1 $0x0  }
0x14: {  	s2 =	sld [smem:$0x3F95];
	s0 =	simm.s32 @p1 $0x1  }
0x15: {  	[smem:$0x3FB2] =	sst s0;
	s0 =	simm.s32 @!p2 $0x0  }
0x16: {  	s3 =	sld [smem:$0x3FDB];
	s0 =	simm.s32 @p2 $0x1  }
0x17: {  	s4 =	simm.s32 $0x1BF5;
	[smem:$0x3FB4] =	sst s0  }
0x18: {  	s0 =	sld [smem:$0x3F97];
	_ =	swait.ge [sflag:s4], $0x0  }
0x19: {  	s7 =	sld [smem:$0x3F98]  }
0x1a: {  	s8 =	sadd.s32 $0xFFFFE003, lr  }
0x1b: {  	s9 =	sadd.s32 $0xFFFFFEF7, lr;
	s5 =	simm.s32 $0xFFFFFFFF;
	p2 =	slt.u32 s8, $0xFFFFF086  }
0x1c: {  	p1 =	slt.u32 s9, $0xF7A;
	s5 =	simm.s32 @!p2 $0x0  }
0x1d: {  	s5 =	simm.s32 @p1 $0x1;
	p0 =	seq.s32 s7, s2  }
0x1e: {  	s7 =	smul.u32 @!p0 $0xF7A, s2;
	p2 =	seq.s32 @!p0 s5, $0x0  }
0x1f: {  	s9 =	smul.u32 $0xF7A, s1;
	s8 =	simm.s32 @!p0 $0x1BF5;
	p2 =	por !p2, p0  }
0x20: {  	[sflag:s8] =	ssyncset.s32 @!p0 $0xFFFFF086;
	s6 =	sadd.s32 @!p0 s3, s7;
	s7 =	simm.s32 @!p0 $0x108  }
0x21: {  	s3 =	sadd.s32 s3, s9;
	s6 =	sadd.s32 @!p0 $0x88, s6;
	s7 =	simm.s32 @p2 $0x1082  }
0x22: {  	[simem:s7], [sflag:s8] =	dma.local @!p0 [hbm:s6], $0xF7A  }
0x23: {  	s9 =	sor.u32 $0xD0000000, s2;
	s6 =	simm.s32 $0x108;
	_ =	swait.ge @!p0 [sflag:s8], $0x0  }
0x24: {  	s3 =	sadd.s32 $0x88, s3;
	s6 =	simm.s32 @!p1 $0x1082;
	[sflag:s4] =	ssyncset.s32 $0xFFFFF086  }
0x25: {  	[simem:s6], [sflag:s4] =	dma.local [hbm:s3], $0xF7A  }
0x26: {  	[smem:$0x3F98] =	sst s1;
	(tag) =	ssettag s2;
	_ =	strace s9  }
0x27: {  	s1 =	sld [smem:$0x3FA8]  }
0x28: {  	s2 =	sld [smem:$0x3FA9]  }
0x29: {  	s4 =	sld [smem:$0x3FAB]  }
0x2a: {  	p0 =	seq.s32 s5, $0x0;
	s5 =	sld [smem:$0x3FAC]  }
0x2b: {  	s6 =	sld [smem:$0x3FAD]  }
0x2c: {  	s7 =	sld [smem:$0x3FAE]  }
0x2d: {  	s3 =	simm.s32 $0x108;
	s8 =	sld [smem:$0x3FAF]  }
0x2e: {  	s3 =	simm.s32 @!p0 $0x1082;
	s9 =	sld [smem:$0x3FB0]  }
0x2f: {  	lr =	sadd.s32 s0, s3;
	s0 =	sld [smem:$0x3FA7]  }
0x30: {  	s3 =	sld [smem:$0x3FAA]  }
0x31: {  	[smem:$0x3FB3] =	sst s10  }
0x32: {  	s10 =	sld [smem:$0x3FB1];
	_ =	sdelay $0x3  }
0x33: {  	p0 =	seq.s32 s10, $0x1;
	s10 =	sld [smem:$0x3FB3];
	_ =	sdelay $0x3  }
0x34: {  	[smem:$0x3FB3] =	sst s10  }
0x35: {  	s10 =	sld [smem:$0x3FB2];
	_ =	sdelay $0x3  }
0x36: {  	p1 =	seq.s32 s10, $0x1;
	s10 =	sld [smem:$0x3FB3];
	_ =	sdelay $0x3  }
0x37: {  	[smem:$0x3FB3] =	sst s10  }
0x38: {  	s10 =	sld [smem:$0x3FB4]  }
0x39: {  	_ = 	snop;
	(pc) =	sbr.ind lr, $3  }
0x3a: {  	_ = 	snop  }
0x3b: {  	_ = 	snop  }
0x3c: {  	p2 =	seq.s32 s10, $0x1;
	s10 =	sld [smem:$0x3FB3]  }
0x3d: {  	_ =	shalt  }
0x3e: {  	_ =	shalt  }
0x3f: {  	_ =	shalt  }
0x40: {  	_ =	shalt  }
0x41: {  	_ =	shalt  }
0x42: {  	_ =	shalt  }
0x43: {  	_ =	shalt  }
0x44: {  	_ =	shalt  }
0x45: {  	_ =	shalt  }
0x46: {  	_ =	shalt  }
0x47: {  	_ =	shalt  }
0x48: {  	_ =	shalt  }
0x49: {  	_ =	shalt  }
0x4a: {  	_ =	shalt  }
0x4b: {  	_ =	shalt  }
0x4c: {  	_ =	shalt  }
0x4d: {  	_ =	shalt  }
0x4e: {  	_ =	shalt  }
0x4f: {  	_ =	shalt  }
0x50: {  	_ =	shalt  }
0x51: {  	_ =	shalt  }
0x52: {  	_ =	shalt  }
0x53: {  	_ =	shalt  }
0x54: {  	_ =	shalt  }
0x55: {  	_ =	shalt  }
0x56: {  	_ =	shalt  }
0x57: {  	_ =	shalt  }
0x58: {  	_ =	shalt  }
0x59: {  	_ =	shalt  }
0x5a: {  	_ =	shalt  }
0x5b: {  	_ =	shalt  }
0x5c: {  	_ =	shalt  }
0x5d: {  	_ =	shalt  }
0x5e: {  	_ =	shalt  }
0x5f: {  	_ =	shalt  }
0x60: {  	_ =	shalt  }
0x61: {  	_ =	shalt  }
0x62: {  	_ =	shalt  }
0x63: {  	_ =	shalt  }
0x64: {  	_ =	shalt  }
0x65: {  	_ =	shalt  }
0x66: {  	_ =	shalt  }
0x67: {  	_ =	shalt  }
0x68: {  	_ =	shalt  }
0x69: {  	_ =	shalt  }
0x6a: {  	_ =	shalt  }
0x6b: {  	_ =	shalt  }
0x6c: {  	_ =	shalt  }
0x6d: {  	_ =	shalt  }
0x6e: {  	_ =	shalt  }
0x6f: {  	_ =	shalt  }
0x70: {  	_ =	shalt  }
0x71: {  	_ =	shalt  }
0x72: {  	_ =	shalt  }
0x73: {  	_ =	shalt  }
0x74: {  	_ =	shalt  }
0x75: {  	_ =	shalt  }
0x76: {  	_ =	shalt  }
0x77: {  	_ =	shalt  }
0x78: {  	_ =	shalt  }
0x79: {  	_ =	shalt  }
0x7a: {  	_ =	shalt  }
0x7b: {  	_ =	shalt  }
0x7c: {  	_ =	shalt  }
0x7d: {  	_ =	shalt  }
0x7e: {  	_ =	shalt  }
0x7f: {  	_ =	shalt  }
0x80: {  	_ =	shalt  }
0x81: {  	_ =	shalt  }
0x82: {  	_ =	shalt  }
0x83: {  	_ =	shalt  }
0x84: {  	_ =	shalt  }
0x85: {  	_ =	shalt  }
0x86: {  	_ =	shalt  }
0x87: {  	_ =	shalt  }
.Lfunc_end0:
.L_simem_size_0:
called_computation.1_lowered:
.L_overlay_start_0:
0x88: {  	s2 =	sld [smem:$0x3FD9]  }
0x89: {  	s3 =	sld [smem:$0x3FFE];
	_ =	sdelay $0x1  }
0x8a: {  	s1 =	srdreg.scid  }
0x8b: {  	s0 =	sand.u32 $0x1, s1  }
0x8c: {  	s16 =	sshll.u32 s0, $0xA;
	s2 =	sadd.s32 s3, s2  }
0x8d: {  	s2 =	sadd.s32 s2, s16  }
0x8e: {  	[smem:$0x3FBF] =	sst s2  }
0x8f: {  	_ = 	snop  }
0x90: {  	(tm) =	ssettm $0x1  }
0x91: {  	s17 =	sld [smem:$0x3FFB];
	_ =	sdelay $0x3  }
0x92: {  	_ =	strace s17  }
0x93: {  	s2 =	sld [smem:$0x3FFC];
	_ =	sdelay $0x3  }
0x94: {  	_ =	strace s2  }
0x95: {  	s2 =	sld [smem:$0x3FFD];
	_ =	sdelay $0x3  }
0x96: {  	_ =	strace s2  }
0x97: {  	_ =	strace $0x8FFFFFFF  }
0x98: {  	s18 =	sld [smem:$0x3FDB];
	_ =	sdelay $0x1  }
0x99: {  	s19 =	simm.s32 $_scs_section_size  }
0x9a: {  	s4 =	simm.s32 $_size__tile_overlayer_lowered;
	s5 =	simm.s32 $_tile_overlayer_lowered  }
0x9b: {  	s22 =	simm.s32 $0x1BFF;
	s21 =	sshll.u32 s5, $0x1;
	s2 =	sadd.s32 s19, s18  }
0x9c: {  	s6 =	simm.s32 $0x0;
	s20 =	sshll.u32 s4, $0x1;
	s4 =	sadd.s32 s21, s2  }
0x9d: {  	[timem:s6], [sflag:s22] =	dma.local [hbm:s4], s20  }
0x9e: {  	_ =	swait.ge [sflag:s22], s20  }
0x9f: {  	s3 =	ssub.s32 $0x0, s20;
	[sflag:s22] =	ssyncset.done $0x0  }
0xa0: {  	[sflag:s22] =	ssyncadd.s32 s3;
	_ =	sdelay $0x1  }
0xa1: {  	s23 =	simm.s32 $0x1B8B  }
0xa2: {  	_ =	swait.ge [sflag:s23], $0x1  }
0xa3: {  	[sflag:s23] =	ssyncset.done $0x0  }
0xa4: {  	s25 =	simm.s32 $0x1B8E;
	s24 =	sld [smem:$0x3FFE];
	[sflag:s23] =	ssyncadd.s32 $0xFFFFFFFF  }
0xa5: {  	s26 =	simm.s32 $execute0_lowered;
	[smem:$0x3FD2] =	sst s25  }
0xa6: {  	s4 =	sshll.u32 s26, $0x1;
	_ =	strace $0x80000049;
	[dreg:$0x1] =	wrdreg $0xFFFFFFFF  }
0xa7: {  	s28 =	simm.s32 $_size_execute0_lowered;
	s2 =	sadd.s32 s2, s4;
	[dreg:$0x0] =	wrdreg $0x0  }
0xa8: {  	s4 =	sshll.u32 s28, $0x1;
	[dreg:$0x2] =	wrdreg s2  }
0xa9: {  	[dreg:$0x3] =	wrdreg s4  }
0xaa: {  	[dreg:$0x4] =	wrdreg $0xC0  }
0xab: {  	_ =	task [dreg:s6], $0x5FFFF  }
0xac: {  	[dreg:$0x1] =	wrdreg $0xFFFFFFFF  }
0xad: {  	[dreg:$0x0] =	wrdreg $0x60  }
0xae: {  	[dreg:$0x2] =	wrdreg s24  }
0xaf: {  	[dreg:$0x3] =	wrdreg $0x9  }
0xb0: {  	_ =	task.clear_ibuf [dreg:s6], $0x4FFFF;
	_ =	strace $0x90000049  }
0xb1: {  	s29 =	simm.s32 $0x9;
	_ =	strace $0x8000004B  }
0xb2: {  	_ =	swait.ge [sflag:s29], $0x1  }
0xb3: {  	[sflag:s29] =	ssyncadd.s32 $0xFFFFFFFF  }
0xb4: {  	_ =	strace $0x9000004B  }
0xb5: {  	_ =	sfence  }
0xb6: {  	s30 =	sld [smem:$0x0];
	_ =	sdelay $0x2  }
0xb7: {  	s31 =	sshll.u32 s1, $0xD;
	s1 =	sshrl.u32 s1, $0x2  }
0xb8: {  	s3 =	sand.u32 $0x4000, s31;
	s1 =	sadd.s32 s1, s30  }
0xb9: {  	s0 =	sor.u32 s3, s0;
	s1 =	sshll.u32 s1, $0x11  }
0xba: {  	s0 =	sor.u32 s1, s0  }
0xbb: {  	s0 =	sadd.s32 $0x8F2B, s0  }
0xbc: {  	[sflag:s0] =	ssyncadd.remote.s32 $0x1  }
0xbd: {  	_ =	sfence.sel $0xFFFF  }
0xbe: {  	[dreg:$0x0] =	wrdreg $0xFFFFFFFF;
	(pc) =	sbr.abs _section_cstart, $3  }
0xbf: {  	[dreg:$0x1] =	wrdreg $0xFFFFFFFF  }
0xc0: {  	_ =	task.clear_ibuf [dreg:s6], $0x2FFFF;
	_ =	strace $0x9FFFFFFF  }
0xc1: {  	(tm) =	ssettm $0x7FFFFFFF  }
tec
execute0_lowered:
.L_overlay_start_1:
0x0: {  	(tag) =	ssettag $0x1  }
0x1: {  	s1 =	srdreg.scid  }
0x2: {  	s0 =	stileid.u32;
	s4 =	rddreg [dreg:$0x0]  }
0x3: {  	s16 =	simm.s32 $0x10000;
	s17 =	simm.s32 $0x10080;
	s18 =	simm.s32 $0x800  }
0x4: {  	s19 =	simm.s32 $0x1000;
	s20 =	simm.s32 $0x1800;
	s21 =	simm.s32 $0x2000  }
0x5: {  	s23 =	simm.s32 $0x2800;
	s1 =	sand.u32 $0x1, s1;
	s2 =	sshll.u32 s0, $0x1  }
0x6: {  	s24 =	simm.s32 $0x3000;
	s3 =	sor.u32 s1, s2;
	s2 =	simm.s32 $0x0  }
0x7: {  	s25 =	simm.s32 $0x3800;
	s26 =	simm.s32 $0x4000;
	[smem:$0x7FF] =	sst s2  }
0x8: {  	s8 =	simm.s32 $0x5000;
	_ =	strace $0x8000004A;
	[dreg:$0x6] =	wrdreg s16  }
0x9: {  	s9 =	simm.s32 $0x5800;
	s10 =	simm.s32 $0x6000;
	[dreg:$0x7] =	wrdreg s17  }
0xa: {  	s11 =	simm.s32 $0x6800;
	s12 =	simm.s32 $0x7000;
	[dreg:$0x8] =	wrdreg s18  }
0xb: {  	s13 =	simm.s32 $0x7800;
	s14 =	simm.s32 $0x8000;
	[dreg:$0x9] =	wrdreg s19  }
0xc: {  	s28 =	simm.s32 $0xE800;
	s29 =	simm.s32 $0xF000;
	[dreg:$0xa] =	wrdreg s20  }
0xd: {  	s30 =	simm.s32 $0xF800;
	s31 =	simm.s32 $0x1;
	[dreg:$0xb] =	wrdreg s21  }
0xe: {  	s1 =	ssub.s32 $0x2, s1;
	s5 =	sshll.u32 s3, $0x4;
	[dreg:$0xc] =	wrdreg s23  }
0xf: {  	s3 =	sshll.u32 s3, $0xC;
	s22 =	sshrl.u32 s1, $0x1;
	[dreg:$0xd] =	wrdreg s24  }
0x10: {  	s5 =	sadd.s32 s5, s4;
	s3 =	sadd.s32 s3, s4;
	[dreg:$0xe] =	wrdreg s25  }
0x11: {  	s1 =	ssub.s32 s1, s22;
	[dreg:$0xf] =	wrdreg s26;
	s16 =	simm.s32 $0x9000  }
0x12: {  	s17 =	simm.s32 $0x9800;
	s18 =	simm.s32 $0xA000;
	s19 =	simm.s32 $0xA800  }
0x13: {  	s20 =	simm.s32 $0xB000;
	s21 =	simm.s32 $0xB800;
	s6 =	sadd.s32 $0x9400, s5  }
0x14: {  	s22 =	simm.s32 $0xC000;
	s5 =	sadd.s32 $0x9200, s5;
	[dreg:$0x2] =	wrdreg s6  }
0x15: {  	s23 =	simm.s32 $0xC800;
	s15 =	sadd.s32 $0x9600, s3;
	[dreg:$0x3] =	wrdreg s5  }
0x16: {  	s24 =	simm.s32 $0xD000;
	s3 =	sadd.s32 $0x29600, s3;
	[dreg:$0x4] =	wrdreg s15  }
0x17: {  	v2 =	vlaneseq.u32;
	s25 =	simm.s32 $0xD800;
	s26 =	simm.s32 $0xE000;
	[dreg:$0x5] =	wrdreg s3  }
0x18: {  	vm0 =	vmmov $0xffff;
	v1 =	vshrl.u32 v2, $0x3;
	s3 =	sadd.s32 $0x69600, s4;
	s4 =	sadd.s32 $0x69700, s4;
	s5 =	smax.u32 s1, $0x1  }
0x19: {  	v0 =	vand.u32 $0x7, v2;
	v2 =	vor.u32 $0x8, v2;
	v1 =	vmul.u32 $0x8, v1;
	s6 =	simm.s32 $0x3;
	s15 =	simm.s32 $0x8800;
	s1 =	simm.s32 $0x2  }
.LBB2_1:
0x1a: {  	s0 =	rddreg [dreg:$0x2]  }
0x1b: {  	s7 =	rddreg [dreg:$0x6]  }
0x1c: {  	[tilespmem:s7], [sflag:$0x3] =	stream.linear.gather [hbm4b:s0+s2], $0x80, $0x38;
	[tilespmem:$0x10100] =	vst v63  }
0x1d: {  	_ =	swait.ge [sflag:s6], $0x80  }
0x1e: {  	s0 =	rddreg [dreg:$0x3];
	[sflag:s6] =	ssyncset.done $0x0  }
0x1f: {  	s7 =	rddreg [dreg:$0x7];
	[sflag:s6] =	ssyncadd.s32 $0xFFFFFF80  }
0x20: {  	[tilespmem:s7], [sflag:$0x3] =	stream.linear.gather [hbm4b:s0+s2], $0x80, $0x38;
	[tilespmem:$0x10100] =	vst v63  }
0x21: {  	_ =	swait.ge [sflag:s6], $0x80  }
0x22: {  	[sflag:s6] =	ssyncset.done $0x0  }
0x23: {  	[sflag:s6] =	ssyncadd.s32 $0xFFFFFF80  }
0x24: {  	v3 =	vld [tilespmem:$0x10000];
	_ =	sdelay $0x4  }
0x25: {  	v4 =	vshll.u32 v3, $0x2  }
0x26: {  	v3 =	vand.u32 $0x7, v3;
	v4 =	vand.u32 $0xFFFFFFE0, v4  }
0x27: {  	v3 =	vor.u32 v3, v4  }
0x28: {  	v4 =	vperm.xlane v3, v0;
	_ =	sdelay $0x1  }
0x29: {  	v4 =	vadd.s32 v1, v4;
	_ =	sdelay $0x1  }
0x2a: {  	v3 =	vperm.xlane v3, v2;
	_ =	sdelay $0x1  }
0x2b: {  	v3 =	vadd.s32 v1, v3  }
0x2c: {  	[tilespmem:s2], [sflag:$0x1] =	stream.indirect_vreg.gather [hbm4b:s3+s2], $0x80, v4, vm0, $0xb8;
	[tilespmem:$0x10100] =	vst v63  }
0x2d: {  	s0 =	rddreg [dreg:$0x8]  }
0x2e: {  	[tilespmem:s0], [sflag:$0x1] =	stream.indirect_vreg.gather [hbm4b:s4+s2], $0x80, v4, vm0, $0xb8;
	[tilespmem:$0x10100] =	vst v63  }
0x2f: {  	s7 =	rddreg [dreg:$0x9]  }
0x30: {  	[tilespmem:s7], [sflag:$0x1] =	stream.indirect_vreg.gather [hbm4b:s3+s2], $0x80, v3, vm0, $0xb8;
	[tilespmem:$0x10100] =	vst v63  }
0x31: {  	s0 =	rddreg [dreg:$0xa]  }
0x32: {  	[tilespmem:s0], [sflag:$0x1] =	stream.indirect_vreg.gather [hbm4b:s4+s2], $0x80, v3, vm0, $0xb8;
	[tilespmem:$0x10100] =	vst v63  }
0x33: {  	v3 =	vld [tilespmem:$0x10010];
	_ =	sdelay $0x4  }
0x34: {  	v57 =	vshll.u32 v3, $0x2  }
0x35: {  	v3 =	vand.u32 $0x7, v3;
	v4 =	vand.u32 $0xFFFFFFE0, v57  }
0x36: {  	v3 =	vor.u32 v3, v4  }
0x37: {  	v4 =	vperm.xlane v3, v0;
	_ =	sdelay $0x1  }
0x38: {  	v4 =	vadd.s32 v1, v4;
	_ =	sdelay $0x1  }
0x39: {  	v3 =	vperm.xlane v3, v2;
	_ =	sdelay $0x1  }
0x3a: {  	s0 =	rddreg [dreg:$0xb];
	v3 =	vadd.s32 v1, v3  }
0x3b: {  	[tilespmem:s0], [sflag:$0x1] =	stream.indirect_vreg.gather [hbm4b:s3+s2], $0x80, v4, vm0, $0xb8;
	[tilespmem:$0x10100] =	vst v63  }
0x3c: {  	s7 =	rddreg [dreg:$0xc]  }
0x3d: {  	[tilespmem:s7], [sflag:$0x1] =	stream.indirect_vreg.gather [hbm4b:s4+s2], $0x80, v4, vm0, $0xb8;
	[tilespmem:$0x10100] =	vst v63  }
0x3e: {  	s0 =	rddreg [dreg:$0xd]  }
0x3f: {  	[tilespmem:s0], [sflag:$0x1] =	stream.indirect_vreg.gather [hbm4b:s3+s2], $0x80, v3, vm0, $0xb8;
	[tilespmem:$0x10100] =	vst v63  }
0x40: {  	s7 =	rddreg [dreg:$0xe]  }
0x41: {  	[tilespmem:s7], [sflag:$0x1] =	stream.indirect_vreg.gather [hbm4b:s4+s2], $0x80, v3, vm0, $0xb8;
	[tilespmem:$0x10100] =	vst v63  }
0x42: {  	v3 =	vld [tilespmem:$0x10020];
	_ =	sdelay $0x4  }
0x43: {  	v58 =	vshll.u32 v3, $0x2  }
0x44: {  	v3 =	vand.u32 $0x7, v3;
	v4 =	vand.u32 $0xFFFFFFE0, v58  }
0x45: {  	v3 =	vor.u32 v3, v4  }
0x46: {  	v4 =	vperm.xlane v3, v0;
	_ =	sdelay $0x1  }
0x47: {  	v4 =	vadd.s32 v1, v4;
	_ =	sdelay $0x1  }
0x48: {  	v3 =	vperm.xlane v3, v2;
	_ =	sdelay $0x1  }
0x49: {  	s7 =	rddreg [dreg:$0xf];
	v3 =	vadd.s32 v1, v3  }
0x4a: {  	[tilespmem:s7], [sflag:$0x1] =	stream.indirect_vreg.gather [hbm4b:s3+s2], $0x80, v4, vm0, $0xb8;
	[tilespmem:$0x10100] =	vst v63  }
0x4b: {  	s7 =	simm.s32 $0x4800  }
0x4c: {  	[tilespmem:s7], [sflag:$0x1] =	stream.indirect_vreg.gather [hbm4b:s4+s2], $0x80, v4, vm0, $0xb8;
	[tilespmem:$0x10100] =	vst v63  }
0x4d: {  	_ = 	snop  }
0x4e: {  	[tilespmem:s8], [sflag:$0x1] =	stream.indirect_vreg.gather [hbm4b:s3+s2], $0x80, v3, vm0, $0xb8;
	[tilespmem:$0x10100] =	vst v63  }
0x4f: {  	_ = 	snop  }
0x50: {  	[tilespmem:s9], [sflag:$0x1] =	stream.indirect_vreg.gather [hbm4b:s4+s2], $0x80, v3, vm0, $0xb8;
	[tilespmem:$0x10100] =	vst v63  }
0x51: {  	v3 =	vld [tilespmem:$0x10030];
	_ =	sdelay $0x4  }
0x52: {  	v59 =	vshll.u32 v3, $0x2  }
0x53: {  	v3 =	vand.u32 $0x7, v3;
	v4 =	vand.u32 $0xFFFFFFE0, v59  }
0x54: {  	v3 =	vor.u32 v3, v4  }
0x55: {  	v4 =	vperm.xlane v3, v0;
	_ =	sdelay $0x1  }
0x56: {  	v4 =	vadd.s32 v1, v4;
	_ =	sdelay $0x1  }
0x57: {  	v3 =	vperm.xlane v3, v2;
	_ =	sdelay $0x1  }
0x58: {  	v3 =	vadd.s32 v1, v3  }
0x59: {  	[tilespmem:s10], [sflag:$0x1] =	stream.indirect_vreg.gather [hbm4b:s3+s2], $0x80, v4, vm0, $0xb8;
	[tilespmem:$0x10100] =	vst v63  }
0x5a: {  	_ = 	snop  }
0x5b: {  	[tilespmem:s11], [sflag:$0x1] =	stream.indirect_vreg.gather [hbm4b:s4+s2], $0x80, v4, vm0, $0xb8;
	[tilespmem:$0x10100] =	vst v63  }
0x5c: {  	_ = 	snop  }
0x5d: {  	[tilespmem:s12], [sflag:$0x1] =	stream.indirect_vreg.gather [hbm4b:s3+s2], $0x80, v3, vm0, $0xb8;
	[tilespmem:$0x10100] =	vst v63  }
0x5e: {  	_ = 	snop  }
0x5f: {  	[tilespmem:s13], [sflag:$0x1] =	stream.indirect_vreg.gather [hbm4b:s4+s2], $0x80, v3, vm0, $0xb8;
	[tilespmem:$0x10100] =	vst v63  }
0x60: {  	v3 =	vld [tilespmem:$0x10080];
	_ =	sdelay $0x4  }
0x61: {  	v60 =	vshll.u32 v3, $0x2  }
0x62: {  	v3 =	vand.u32 $0x7, v3;
	v4 =	vand.u32 $0xFFFFFFE0, v60  }
0x63: {  	v3 =	vor.u32 v3, v4  }
0x64: {  	v4 =	vperm.xlane v3, v0;
	_ =	sdelay $0x1  }
0x65: {  	v4 =	vadd.s32 v1, v4;
	_ =	sdelay $0x1  }
0x66: {  	v3 =	vperm.xlane v3, v2;
	_ =	sdelay $0x1  }
0x67: {  	v3 =	vadd.s32 v1, v3  }
0x68: {  	[tilespmem:s14], [sflag:$0x2] =	stream.indirect_vreg.gather [hbm4b:s3+s2], $0x80, v4, vm0, $0xb8;
	[tilespmem:$0x10100] =	vst v63  }
0x69: {  	_ = 	snop  }
0x6a: {  	[tilespmem:s15], [sflag:$0x2] =	stream.indirect_vreg.gather [hbm4b:s4+s2], $0x80, v4, vm0, $0xb8;
	[tilespmem:$0x10100] =	vst v63  }
0x6b: {  	_ = 	snop  }
0x6c: {  	[tilespmem:s16], [sflag:$0x2] =	stream.indirect_vreg.gather [hbm4b:s3+s2], $0x80, v3, vm0, $0xb8;
	[tilespmem:$0x10100] =	vst v63  }
0x6d: {  	_ = 	snop  }
0x6e: {  	[tilespmem:s17], [sflag:$0x2] =	stream.indirect_vreg.gather [hbm4b:s4+s2], $0x80, v3, vm0, $0xb8;
	[tilespmem:$0x10100] =	vst v63  }
0x6f: {  	v3 =	vld [tilespmem:$0x10090];
	_ =	sdelay $0x4  }
0x70: {  	v61 =	vshll.u32 v3, $0x2  }
0x71: {  	v3 =	vand.u32 $0x7, v3;
	v4 =	vand.u32 $0xFFFFFFE0, v61  }
0x72: {  	v3 =	vor.u32 v3, v4  }
0x73: {  	v4 =	vperm.xlane v3, v0;
	_ =	sdelay $0x1  }
0x74: {  	v4 =	vadd.s32 v1, v4;
	_ =	sdelay $0x1  }
0x75: {  	v3 =	vperm.xlane v3, v2;
	_ =	sdelay $0x1  }
0x76: {  	v3 =	vadd.s32 v1, v3  }
0x77: {  	[tilespmem:s18], [sflag:$0x2] =	stream.indirect_vreg.gather [hbm4b:s3+s2], $0x80, v4, vm0, $0xb8;
	[tilespmem:$0x10100] =	vst v63  }
0x78: {  	_ = 	snop  }
0x79: {  	[tilespmem:s19], [sflag:$0x2] =	stream.indirect_vreg.gather [hbm4b:s4+s2], $0x80, v4, vm0, $0xb8;
	[tilespmem:$0x10100] =	vst v63  }
0x7a: {  	_ = 	snop  }
0x7b: {  	[tilespmem:s20], [sflag:$0x2] =	stream.indirect_vreg.gather [hbm4b:s3+s2], $0x80, v3, vm0, $0xb8;
	[tilespmem:$0x10100] =	vst v63  }
0x7c: {  	_ = 	snop  }
0x7d: {  	[tilespmem:s21], [sflag:$0x2] =	stream.indirect_vreg.gather [hbm4b:s4+s2], $0x80, v3, vm0, $0xb8;
	[tilespmem:$0x10100] =	vst v63  }
0x7e: {  	v3 =	vld [tilespmem:$0x100A0];
	_ =	sdelay $0x4  }
0x7f: {  	v62 =	vshll.u32 v3, $0x2  }
0x80: {  	v3 =	vand.u32 $0x7, v3;
	v4 =	vand.u32 $0xFFFFFFE0, v62  }
0x81: {  	v3 =	vor.u32 v3, v4  }
0x82: {  	v4 =	vperm.xlane v3, v0;
	_ =	sdelay $0x1  }
0x83: {  	v4 =	vadd.s32 v1, v4;
	_ =	sdelay $0x1  }
0x84: {  	v3 =	vperm.xlane v3, v2;
	_ =	sdelay $0x1  }
0x85: {  	v3 =	vadd.s32 v1, v3  }
0x86: {  	[tilespmem:s22], [sflag:$0x2] =	stream.indirect_vreg.gather [hbm4b:s3+s2], $0x80, v4, vm0, $0xb8;
	[tilespmem:$0x10100] =	vst v63  }
0x87: {  	_ = 	snop  }
0x88: {  	[tilespmem:s23], [sflag:$0x2] =	stream.indirect_vreg.gather [hbm4b:s4+s2], $0x80, v4, vm0, $0xb8;
	[tilespmem:$0x10100] =	vst v63  }
0x89: {  	_ = 	snop  }
0x8a: {  	[tilespmem:s24], [sflag:$0x2] =	stream.indirect_vreg.gather [hbm4b:s3+s2], $0x80, v3, vm0, $0xb8;
	[tilespmem:$0x10100] =	vst v63  }
0x8b: {  	_ = 	snop  }
0x8c: {  	[tilespmem:s25], [sflag:$0x2] =	stream.indirect_vreg.gather [hbm4b:s4+s2], $0x80, v3, vm0, $0xb8;
	[tilespmem:$0x10100] =	vst v63  }
0x8d: {  	v3 =	vld [tilespmem:$0x100B0];
	_ =	sdelay $0x4  }
0x8e: {  	v63 =	vshll.u32 v3, $0x2  }
0x8f: {  	v3 =	vand.u32 $0x7, v3;
	v4 =	vand.u32 $0xFFFFFFE0, v63  }
0x90: {  	v3 =	vor.u32 v3, v4  }
0x91: {  	v4 =	vperm.xlane v3, v0;
	_ =	sdelay $0x1  }
0x92: {  	v4 =	vadd.s32 v1, v4;
	_ =	sdelay $0x1  }
0x93: {  	v3 =	vperm.xlane v3, v2;
	_ =	sdelay $0x1  }
0x94: {  	v3 =	vadd.s32 v1, v3  }
0x95: {  	[tilespmem:s26], [sflag:$0x2] =	stream.indirect_vreg.gather [hbm4b:s3+s2], $0x80, v4, vm0, $0xb8;
	[tilespmem:$0x10100] =	vst v63  }
0x96: {  	_ = 	snop  }
0x97: {  	[tilespmem:s28], [sflag:$0x2] =	stream.indirect_vreg.gather [hbm4b:s4+s2], $0x80, v4, vm0, $0xb8;
	[tilespmem:$0x10100] =	vst v63  }
0x98: {  	_ = 	snop  }
0x99: {  	[tilespmem:s29], [sflag:$0x2] =	stream.indirect_vreg.gather [hbm4b:s3+s2], $0x80, v3, vm0, $0xb8;
	[tilespmem:$0x10100] =	vst v63  }
0x9a: {  	_ = 	snop  }
0x9b: {  	[tilespmem:s30], [sflag:$0x2] =	stream.indirect_vreg.gather [hbm4b:s4+s2], $0x80, v3, vm0, $0xb8;
	[tilespmem:$0x10100] =	vst v63  }
0x9c: {  	_ =	swait.ge [sflag:s31], $0x8000  }
0x9d: {  	[sflag:s31] =	ssyncset.done $0x0  }
0x9e: {  	[sflag:s31] =	ssyncadd.s32 $0xFFFF8000  }
0x9f: {  	_ =	swait.ge [sflag:s1], $0x8000  }
0xa0: {  	[sflag:s1] =	ssyncset.done $0x0  }
0xa1: {  	s7 =	rddreg [dreg:$0x4];
	[sflag:s1] =	ssyncadd.s32 $0xFFFF8000  }
0xa2: {  	[hbm4b:s7+s2] =	stream.linear.scatter [tilespmem:s2], [sflag:$0x3], $0x8000, $0x38;
	[tilespmem:$0x10100] =	vst v63  }
0xa3: {  	_ =	swait.ge [sflag:s6], $0x8000  }
0xa4: {  	p0 =	sne.s32 s5, $0x1;
	[sflag:s6] =	ssyncset.done $0x0  }
.Ltmp0:
0xa5: {  	s7 =	rddreg [dreg:$0x5];
	[sflag:s6] =	ssyncadd.s32 $0xFFFF8000;
	(pc) =	sbr.rel @p0 .LBB2_1-.Ltmp0, $4  }
0xa6: {  	[hbm4b:s7+s2] =	stream.linear.scatter [tilespmem:s14], [sflag:$0x3], $0x8000, $0x38;
	[tilespmem:$0x10100] =	vst v63  }
0xa7: {  	_ =	swait.ge [sflag:s6], $0x8000  }
0xa8: {  	[sflag:s6] =	ssyncset.done $0x0  }
0xa9: {  	s5 =	sadd.s32 $0xFFFFFFFF, s5;
	[sflag:s6] =	ssyncadd.s32 $0xFFFF8000  }
0xaa: {  	_ =	sfence.sel $0x180000  }
0xab: {  	[bflag:$0x0] =	sbarrier.arrive $0xFFFF  }
0xac: {  	_ =	strace $0x9000004A  }
0xad: {  	s0 =	stileid.u32;
	[bflag:$0x2] =	sbarrier.arrive $0xFFFF  }
0xae: {  	p0 =	sne.s32 s0, $0x0;
	s0 =	rddreg [dreg:$0x1]  }
0xaf: {  	s0 =	sadd.s32 @!p0 $0x100000, s0  }
0xb0: {  	[sflag:s0] =	ssyncadd.tile.s32 @!p0 $0x1;
	_ =	shalt  }
.Lfunc_end2:
_tile_overlayer_lowered:
.L_overlay_start_2:
0xb1: {  	(tag) =	ssettag $0x2  }
0xb2: {  	s0 =	rddreg [dreg:$0x0];
	s2 =	stileid.u32  }
0xb3: {  	s1 =	rddreg [dreg:$0x1];
	p0 =	sne.s32 s2, $0x0  }
0xb4: {  	s3 =	rddreg [dreg:$0x2];
	[bflag:$0x3] =	sbarrier.arrive $0xFFFF;
	s2 =	simm.s32 @!p0 $0x1C03  }
0xb5: {  	[timem:s3], [sflag:s2] =	dma.local @!p0 [hbm:s0], s1  }
0xb6: {  	s0 =	simm.s32 @!p0 $0x3  }
0xb7: {  	_ =	swait.ge @!p0 [sflag:s0], s1  }
0xb8: {  	s1 =	ssub.s32 @!p0 $0x0, s1;
	[sflag:s0] =	ssyncset.done @!p0 $0x0  }
0xb9: {  	[sflag:s0] =	ssyncadd.s32 @!p0 s1  }
0xba: {  	[bflag:$0x3] =	sbarrier.arrive $0xFFFF  }
0xbb: {  	_ =	shalt  }

// kernel: kernel.7.cloned.1.call-start
scs
__scs_entry_jumppad:
0x0: {  	(pc) =	sbr.rel $0x88, $3  }
0x1: {  	(tag) =	ssettag $0x0;
	lr =	simm.s32 $0x1  }
0x2: {  	[smem:$0x3F98] =	sst lr;
	_ =	strace $0xD0000000  }
0x3: {  	_ = 	snop  }
0x4: {  	_ = 	snop  }
0x5: {  	_ = 	snop  }
0x6: {  	_ = 	snop  }
0x7: {  	_ = 	snop  }
__scs_overlays_trampoline_lowered:
0x8: {  	[smem:$0x3FA7] =	sst s0  }
0x9: {  	[smem:$0x3FA8] =	sst s1  }
0xa: {  	[smem:$0x3FA9] =	sst s2  }
0xb: {  	[smem:$0x3FAA] =	sst s3  }
0xc: {  	[smem:$0x3FAB] =	sst s4  }
0xd: {  	[smem:$0x3FAC] =	sst s5  }
0xe: {  	[smem:$0x3FAD] =	sst s6  }
0xf: {  	[smem:$0x3FAE] =	sst s7  }
0x10: {  	[smem:$0x3FAF] =	sst s8  }
0x11: {  	[smem:$0x3FB0] =	sst s9;
	s0 =	simm.s32 @!p0 $0x0  }
0x12: {  	s1 =	sld [smem:$0x3F96];
	s0 =	simm.s32 @p0 $0x1  }
0x13: {  	[smem:$0x3FB1] =	sst s0;
	s0 =	simm.s32 @!p1 $0x0  }
0x14: {  	s2 =	sld [smem:$0x3F95];
	s0 =	simm.s32 @p1 $0x1  }
0x15: {  	[smem:$0x3FB2] =	sst s0;
	s0 =	simm.s32 @!p2 $0x0  }
0x16: {  	s3 =	sld [smem:$0x3FDB];
	s0 =	simm.s32 @p2 $0x1  }
0x17: {  	s4 =	simm.s32 $0x1BF5;
	[smem:$0x3FB4] =	sst s0  }
0x18: {  	s0 =	sld [smem:$0x3F97];
	_ =	swait.ge [sflag:s4], $0x0  }
0x19: {  	s7 =	sld [smem:$0x3F98]  }
0x1a: {  	s8 =	sadd.s32 $0xFFFFE003, lr  }
0x1b: {  	s9 =	sadd.s32 $0xFFFFFEF7, lr;
	s5 =	simm.s32 $0xFFFFFFFF;
	p2 =	slt.u32 s8, $0xFFFFF086  }
0x1c: {  	p1 =	slt.u32 s9, $0xF7A;
	s5 =	simm.s32 @!p2 $0x0  }
0x1d: {  	s5 =	simm.s32 @p1 $0x1;
	p0 =	seq.s32 s7, s2  }
0x1e: {  	s7 =	smul.u32 @!p0 $0xF7A, s2;
	p2 =	seq.s32 @!p0 s5, $0x0  }
0x1f: {  	s9 =	smul.u32 $0xF7A, s1;
	s8 =	simm.s32 @!p0 $0x1BF5;
	p2 =	por !p2, p0  }
0x20: {  	[sflag:s8] =	ssyncset.s32 @!p0 $0xFFFFF086;
	s6 =	sadd.s32 @!p0 s3, s7;
	s7 =	simm.s32 @!p0 $0x108  }
0x21: {  	s3 =	sadd.s32 s3, s9;
	s6 =	sadd.s32 @!p0 $0x88, s6;
	s7 =	simm.s32 @p2 $0x1082  }
0x22: {  	[simem:s7], [sflag:s8] =	dma.local @!p0 [hbm:s6], $0xF7A  }
0x23: {  	s9 =	sor.u32 $0xD0000000, s2;
	s6 =	simm.s32 $0x108;
	_ =	swait.ge @!p0 [sflag:s8], $0x0  }
0x24: {  	s3 =	sadd.s32 $0x88, s3;
	s6 =	simm.s32 @!p1 $0x1082;
	[sflag:s4] =	ssyncset.s32 $0xFFFFF086  }
0x25: {  	[simem:s6], [sflag:s4] =	dma.local [hbm:s3], $0xF7A  }
0x26: {  	[smem:$0x3F98] =	sst s1;
	(tag) =	ssettag s2;
	_ =	strace s9  }
0x27: {  	s1 =	sld [smem:$0x3FA8]  }
0x28: {  	s2 =	sld [smem:$0x3FA9]  }
0x29: {  	s4 =	sld [smem:$0x3FAB]  }
0x2a: {  	p0 =	seq.s32 s5, $0x0;
	s5 =	sld [smem:$0x3FAC]  }
0x2b: {  	s6 =	sld [smem:$0x3FAD]  }
0x2c: {  	s7 =	sld [smem:$0x3FAE]  }
0x2d: {  	s3 =	simm.s32 $0x108;
	s8 =	sld [smem:$0x3FAF]  }
0x2e: {  	s3 =	simm.s32 @!p0 $0x1082;
	s9 =	sld [smem:$0x3FB0]  }
0x2f: {  	lr =	sadd.s32 s0, s3;
	s0 =	sld [smem:$0x3FA7]  }
0x30: {  	s3 =	sld [smem:$0x3FAA]  }
0x31: {  	[smem:$0x3FB3] =	sst s10  }
0x32: {  	s10 =	sld [smem:$0x3FB1];
	_ =	sdelay $0x3  }
0x33: {  	p0 =	seq.s32 s10, $0x1;
	s10 =	sld [smem:$0x3FB3];
	_ =	sdelay $0x3  }
0x34: {  	[smem:$0x3FB3] =	sst s10  }
0x35: {  	s10 =	sld [smem:$0x3FB2];
	_ =	sdelay $0x3  }
0x36: {  	p1 =	seq.s32 s10, $0x1;
	s10 =	sld [smem:$0x3FB3];
	_ =	sdelay $0x3  }
0x37: {  	[smem:$0x3FB3] =	sst s10  }
0x38: {  	s10 =	sld [smem:$0x3FB4]  }
0x39: {  	_ = 	snop;
	(pc) =	sbr.ind lr, $3  }
0x3a: {  	_ = 	snop  }
0x3b: {  	_ = 	snop  }
0x3c: {  	p2 =	seq.s32 s10, $0x1;
	s10 =	sld [smem:$0x3FB3]  }
0x3d: {  	_ =	shalt  }
0x3e: {  	_ =	shalt  }
0x3f: {  	_ =	shalt  }
0x40: {  	_ =	shalt  }
0x41: {  	_ =	shalt  }
0x42: {  	_ =	shalt  }
0x43: {  	_ =	shalt  }
0x44: {  	_ =	shalt  }
0x45: {  	_ =	shalt  }
0x46: {  	_ =	shalt  }
0x47: {  	_ =	shalt  }
0x48: {  	_ =	shalt  }
0x49: {  	_ =	shalt  }
0x4a: {  	_ =	shalt  }
0x4b: {  	_ =	shalt  }
0x4c: {  	_ =	shalt  }
0x4d: {  	_ =	shalt  }
0x4e: {  	_ =	shalt  }
0x4f: {  	_ =	shalt  }
0x50: {  	_ =	shalt  }
0x51: {  	_ =	shalt  }
0x52: {  	_ =	shalt  }
0x53: {  	_ =	shalt  }
0x54: {  	_ =	shalt  }
0x55: {  	_ =	shalt  }
0x56: {  	_ =	shalt  }
0x57: {  	_ =	shalt  }
0x58: {  	_ =	shalt  }
0x59: {  	_ =	shalt  }
0x5a: {  	_ =	shalt  }
0x5b: {  	_ =	shalt  }
0x5c: {  	_ =	shalt  }
0x5d: {  	_ =	shalt  }
0x5e: {  	_ =	shalt  }
0x5f: {  	_ =	shalt  }
0x60: {  	_ =	shalt  }
0x61: {  	_ =	shalt  }
0x62: {  	_ =	shalt  }
0x63: {  	_ =	shalt  }
0x64: {  	_ =	shalt  }
0x65: {  	_ =	shalt  }
0x66: {  	_ =	shalt  }
0x67: {  	_ =	shalt  }
0x68: {  	_ =	shalt  }
0x69: {  	_ =	shalt  }
0x6a: {  	_ =	shalt  }
0x6b: {  	_ =	shalt  }
0x6c: {  	_ =	shalt  }
0x6d: {  	_ =	shalt  }
0x6e: {  	_ =	shalt  }
0x6f: {  	_ =	shalt  }
0x70: {  	_ =	shalt  }
0x71: {  	_ =	shalt  }
0x72: {  	_ =	shalt  }
0x73: {  	_ =	shalt  }
0x74: {  	_ =	shalt  }
0x75: {  	_ =	shalt  }
0x76: {  	_ =	shalt  }
0x77: {  	_ =	shalt  }
0x78: {  	_ =	shalt  }
0x79: {  	_ =	shalt  }
0x7a: {  	_ =	shalt  }
0x7b: {  	_ =	shalt  }
0x7c: {  	_ =	shalt  }
0x7d: {  	_ =	shalt  }
0x7e: {  	_ =	shalt  }
0x7f: {  	_ =	shalt  }
0x80: {  	_ =	shalt  }
0x81: {  	_ =	shalt  }
0x82: {  	_ =	shalt  }
0x83: {  	_ =	shalt  }
0x84: {  	_ =	shalt  }
0x85: {  	_ =	shalt  }
0x86: {  	_ =	shalt  }
0x87: {  	_ =	shalt  }
.Lfunc_end0:
.L_simem_size_0:
called_computation_lowered:
.L_overlay_start_0:
0x88: {  	s2 =	sld [smem:$0x3FD9]  }
0x89: {  	s3 =	sld [smem:$0x3FFE];
	_ =	sdelay $0x1  }
0x8a: {  	s1 =	srdreg.scid  }
0x8b: {  	s0 =	sand.u32 $0x1, s1  }
0x8c: {  	s17 =	sshll.u32 s0, $0xA;
	s2 =	sadd.s32 s3, s2  }
0x8d: {  	s2 =	sadd.s32 s2, s17  }
0x8e: {  	[smem:$0x3FBF] =	sst s2  }
0x8f: {  	_ = 	snop  }
0x90: {  	s2 =	sld [smem:$0x3FD0];
	(tm) =	ssettm $0x1  }
0x91: {  	s18 =	sld [smem:$0x3FFB];
	_ =	sdelay $0x3  }
0x92: {  	_ =	strace s18  }
0x93: {  	s3 =	sld [smem:$0x3FFC];
	_ =	sdelay $0x3  }
0x94: {  	_ =	strace s3  }
0x95: {  	s3 =	sld [smem:$0x3FFD];
	_ =	sdelay $0x3  }
0x96: {  	_ =	strace s3  }
0x97: {  	_ =	strace $0x8FFFFFFF  }
0x98: {  	s19 =	sld [smem:$0x3FDB];
	_ =	sdelay $0x1  }
0x99: {  	s4 =	simm.s32 $_scs_section_size  }
0x9a: {  	s5 =	simm.s32 $_size__tile_overlayer_lowered;
	s6 =	simm.s32 $_tile_overlayer_lowered  }
0x9b: {  	s22 =	simm.s32 $0x1BFF;
	s21 =	sshll.u32 s6, $0x1;
	s3 =	sadd.s32 s4, s19  }
0x9c: {  	s7 =	simm.s32 $0x0;
	s20 =	sshll.u32 s5, $0x1;
	s5 =	sadd.s32 s21, s3  }
0x9d: {  	[timem:s7], [sflag:s22] =	dma.local [hbm:s5], s20  }
0x9e: {  	_ =	swait.ge [sflag:s22], s20  }
0x9f: {  	s4 =	ssub.s32 $0x0, s20;
	[sflag:s22] =	ssyncset.done $0x0  }
0xa0: {  	[sflag:s22] =	ssyncadd.s32 s4;
	_ =	sdelay $0x1  }
0xa1: {  	s23 =	simm.s32 $0x1B8B  }
0xa2: {  	_ =	swait.ge [sflag:s23], $0x1  }
0xa3: {  	[sflag:s23] =	ssyncset.done $0x0  }
0xa4: {  	s25 =	simm.s32 $0x1B8E;
	s24 =	sld [smem:$0x3FFE];
	[sflag:s23] =	ssyncadd.s32 $0xFFFFFFFF  }
0xa5: {  	s26 =	simm.s32 $execute0_lowered;
	[smem:$0x3FD2] =	sst s25  }
0xa6: {  	s5 =	sshll.u32 s26, $0x1;
	_ =	strace $0x80000046;
	[dreg:$0x1] =	wrdreg $0xFFFFFFFF  }
0xa7: {  	s28 =	simm.s32 $_size_execute0_lowered;
	s3 =	sadd.s32 s3, s5;
	[dreg:$0x0] =	wrdreg $0x0  }
0xa8: {  	s5 =	sshll.u32 s28, $0x1;
	[dreg:$0x2] =	wrdreg s3  }
0xa9: {  	[dreg:$0x3] =	wrdreg s5  }
0xaa: {  	[dreg:$0x4] =	wrdreg $0xC0  }
0xab: {  	_ =	task [dreg:s7], $0x5FFFF  }
0xac: {  	[dreg:$0x1] =	wrdreg $0xFFFFFFFF  }
0xad: {  	[dreg:$0x0] =	wrdreg $0x60  }
0xae: {  	[dreg:$0x2] =	wrdreg s2  }
0xaf: {  	[dreg:$0x3] =	wrdreg s24  }
0xb0: {  	[dreg:$0x4] =	wrdreg $0x9  }
0xb1: {  	_ =	task.clear_ibuf [dreg:s7], $0x5FFFF;
	_ =	strace $0x90000046  }
0xb2: {  	s29 =	simm.s32 $0x9;
	_ =	strace $0x80000048  }
0xb3: {  	_ =	swait.ge [sflag:s29], $0x1  }
0xb4: {  	[sflag:s29] =	ssyncadd.s32 $0xFFFFFFFF  }
0xb5: {  	_ =	strace $0x90000048  }
0xb6: {  	_ =	sfence  }
0xb7: {  	s30 =	sld [smem:$0x0];
	_ =	sdelay $0x2  }
0xb8: {  	s31 =	sshll.u32 s1, $0xD;
	s1 =	sshrl.u32 s1, $0x2  }
0xb9: {  	s3 =	sand.u32 $0x4000, s31;
	s1 =	sadd.s32 s1, s30  }
0xba: {  	s0 =	sor.u32 s3, s0;
	s1 =	sshll.u32 s1, $0x11  }
0xbb: {  	s0 =	sor.u32 s1, s0  }
0xbc: {  	s0 =	sadd.s32 $0x8F2B, s0  }
0xbd: {  	[sflag:s0] =	ssyncadd.remote.s32 $0x1  }
0xbe: {  	_ =	sfence.sel $0xFFFF  }
0xbf: {  	[dreg:$0x0] =	wrdreg $0xFFFFFFFF;
	(pc) =	sbr.abs _section_cstart, $3  }
0xc0: {  	[dreg:$0x1] =	wrdreg $0xFFFFFFFF  }
0xc1: {  	_ =	task.clear_ibuf [dreg:s7], $0x2FFFF;
	_ =	strace $0x9FFFFFFF  }
0xc2: {  	(tm) =	ssettm $0x7FFFFFFF  }
0xc3: {  	_ =	shalt  }
tec
execute0_lowered:
.L_overlay_start_1:
0x0: {  	(tag) =	ssettag $0x1  }
0x1: {  	s4 =	rddreg [dreg:$0x0]  }
0x2: {  	s7 =	rddreg [dreg:$0x1]  }
0x3: {  	s0 =	rddreg [dreg:$0x2];
	s3 =	srdreg.scid  }
0x4: {  	s1 =	stileid.u32;
	s2 =	simm.s32 $0x0;
	s10 =	simm.s32 $0x8000  }
0x5: {  	s11 =	simm.s32 $0x8080;
	s12 =	simm.s32 $0x800;
	s13 =	simm.s32 $0x1000  }
0x6: {  	s14 =	simm.s32 $0x1800;
	s15 =	simm.s32 $0x2000;
	s16 =	simm.s32 $0x2800  }
0x7: {  	s17 =	simm.s32 $0x3000;
	s18 =	simm.s32 $0x3800;
	s19 =	simm.s32 $0x4000  }
0x8: {  	s20 =	simm.s32 $0x4800;
	s21 =	simm.s32 $0x5000;
	s22 =	simm.s32 $0x5800  }
0x9: {  	s23 =	simm.s32 $0x6000;
	s24 =	simm.s32 $0x6800;
	s25 =	simm.s32 $0x7000  }
0xa: {  	s26 =	simm.s32 $0x7800;
	s28 =	simm.s32 $0x1;
	s29 =	simm.s32 $0x2  }
0xb: {  	s3 =	sand.u32 $0x1, s3;
	s5 =	sshll.u32 s1, $0x1;
	[smem:$0x7FF] =	sst s2  }
0xc: {  	s5 =	sor.u32 s3, s5;
	_ =	strace $0x80000047;
	s8 =	ssub.s32 $0x2, s3  }
0xd: {  	s3 =	sadd.s32 $0x9600, s7;
	s6 =	sshll.u32 s5, $0x4;
	s9 =	sshrl.u32 s8, $0x1  }
0xe: {  	v2 =	vlaneseq.u32;
	s5 =	sshll.u32 s5, $0xC;
	s6 =	sadd.s32 s6, s7;
	s8 =	ssub.s32 s8, s9  }
0xf: {  	vm0 =	vmmov $0xffff;
	v1 =	vshrl.u32 v2, $0x3;
	s4 =	sadd.s32 s4, s5;
	s7 =	sadd.s32 $0x9700, s7;
	s9 =	simm.s32 $0x3  }
0x10: {  	v0 =	vand.u32 $0x7, v2;
	v2 =	vor.u32 $0x8, v2;
	v1 =	vmul.u32 $0x8, v1;
	s5 =	sadd.s32 $0x9400, s6;
	s6 =	sadd.s32 $0x9200, s6;
	s8 =	smax.u32 s8, $0x1  }
.LBB2_1:
0x11: {  	[tilespmem:s2], [sflag:$0x3] =	stream.linear.gather [hbm4b:s4+s2], $0x8000, $0x38;
	[tilespmem:$0x8100] =	vst v63  }
0x12: {  	_ =	swait.ge [sflag:s9], $0x8000  }
0x13: {  	[sflag:s9] =	ssyncset.done $0x0  }
0x14: {  	[sflag:s9] =	ssyncadd.s32 $0xFFFF8000  }
0x15: {  	[tilespmem:s10], [sflag:$0x3] =	stream.linear.gather [hbm4b:s5+s2], $0x80, $0x38;
	[tilespmem:$0x8100] =	vst v63  }
0x16: {  	_ =	swait.ge [sflag:s9], $0x80  }
0x17: {  	[sflag:s9] =	ssyncset.done $0x0  }
0x18: {  	[sflag:s9] =	ssyncadd.s32 $0xFFFFFF80  }
0x19: {  	[tilespmem:s11], [sflag:$0x3] =	stream.linear.gather [hbm4b:s6+s2], $0x80, $0x38;
	[tilespmem:$0x8100] =	vst v63  }
0x1a: {  	_ =	swait.ge [sflag:s9], $0x80  }
0x1b: {  	[sflag:s9] =	ssyncset.done $0x0  }
0x1c: {  	[sflag:s9] =	ssyncadd.s32 $0xFFFFFF80  }
0x1d: {  	v3 =	vld [tilespmem:$0x8000];
	_ =	sdelay $0x4  }
0x1e: {  	v4 =	vshll.u32 v3, $0x2  }
0x1f: {  	v3 =	vand.u32 $0x7, v3;
	v4 =	vand.u32 $0xFFFFFFE0, v4  }
0x20: {  	v3 =	vor.u32 v3, v4  }
0x21: {  	v4 =	vperm.xlane v3, v0;
	_ =	sdelay $0x1  }
0x22: {  	v4 =	vadd.s32 v1, v4;
	_ =	sdelay $0x1  }
0x23: {  	v3 =	vperm.xlane v3, v2;
	_ =	sdelay $0x1  }
0x24: {  	v3 =	vadd.s32 v1, v3  }
0x25: {  	[hbm4b:s3+s2] =	stream.indirect_vreg.scatter [tilespmem:s2], [sflag:$0x1], $0x80, v4, vm0, $0xb8;
	[tilespmem:$0x8100] =	vst v63  }
0x26: {  	_ = 	snop  }
0x27: {  	[hbm4b:s7+s2] =	stream.indirect_vreg.scatter [tilespmem:s12], [sflag:$0x1], $0x80, v4, vm0, $0xb8;
	[tilespmem:$0x8100] =	vst v63  }
0x28: {  	_ = 	snop  }
0x29: {  	[hbm4b:s3+s2] =	stream.indirect_vreg.scatter [tilespmem:s13], [sflag:$0x1], $0x80, v3, vm0, $0xb8;
	[tilespmem:$0x8100] =	vst v63  }
0x2a: {  	_ = 	snop  }
0x2b: {  	[hbm4b:s7+s2] =	stream.indirect_vreg.scatter [tilespmem:s14], [sflag:$0x1], $0x80, v3, vm0, $0xb8;
	[tilespmem:$0x8100] =	vst v63  }
0x2c: {  	v3 =	vld [tilespmem:$0x8010];
	_ =	sdelay $0x4  }
0x2d: {  	v57 =	vshll.u32 v3, $0x2  }
0x2e: {  	v3 =	vand.u32 $0x7, v3;
	v4 =	vand.u32 $0xFFFFFFE0, v57  }
0x2f: {  	v3 =	vor.u32 v3, v4  }
0x30: {  	v4 =	vperm.xlane v3, v0;
	_ =	sdelay $0x1  }
0x31: {  	v4 =	vadd.s32 v1, v4;
	_ =	sdelay $0x1  }
0x32: {  	v3 =	vperm.xlane v3, v2;
	_ =	sdelay $0x1  }
0x33: {  	v3 =	vadd.s32 v1, v3  }
0x34: {  	[hbm4b:s3+s2] =	stream.indirect_vreg.scatter [tilespmem:s15], [sflag:$0x1], $0x80, v4, vm0, $0xb8;
	[tilespmem:$0x8100] =	vst v63  }
0x35: {  	_ = 	snop  }
0x36: {  	[hbm4b:s7+s2] =	stream.indirect_vreg.scatter [tilespmem:s16], [sflag:$0x1], $0x80, v4, vm0, $0xb8;
	[tilespmem:$0x8100] =	vst v63  }
0x37: {  	_ = 	snop  }
0x38: {  	[hbm4b:s3+s2] =	stream.indirect_vreg.scatter [tilespmem:s17], [sflag:$0x1], $0x80, v3, vm0, $0xb8;
	[tilespmem:$0x8100] =	vst v63  }
0x39: {  	_ = 	snop  }
0x3a: {  	[hbm4b:s7+s2] =	stream.indirect_vreg.scatter [tilespmem:s18], [sflag:$0x1], $0x80, v3, vm0, $0xb8;
	[tilespmem:$0x8100] =	vst v63  }
0x3b: {  	v3 =	vld [tilespmem:$0x8020];
	_ =	sdelay $0x4  }
0x3c: {  	v58 =	vshll.u32 v3, $0x2  }
0x3d: {  	v3 =	vand.u32 $0x7, v3;
	v4 =	vand.u32 $0xFFFFFFE0, v58  }
0x3e: {  	v3 =	vor.u32 v3, v4  }
0x3f: {  	v4 =	vperm.xlane v3, v0;
	_ =	sdelay $0x1  }
0x40: {  	v4 =	vadd.s32 v1, v4;
	_ =	sdelay $0x1  }
0x41: {  	v3 =	vperm.xlane v3, v2;
	_ =	sdelay $0x1  }
0x42: {  	v3 =	vadd.s32 v1, v3  }
0x43: {  	[hbm4b:s3+s2] =	stream.indirect_vreg.scatter [tilespmem:s19], [sflag:$0x1], $0x80, v4, vm0, $0xb8;
	[tilespmem:$0x8100] =	vst v63  }
0x44: {  	_ = 	snop  }
0x45: {  	[hbm4b:s7+s2] =	stream.indirect_vreg.scatter [tilespmem:s20], [sflag:$0x1], $0x80, v4, vm0, $0xb8;
	[tilespmem:$0x8100] =	vst v63  }
0x46: {  	_ = 	snop  }
0x47: {  	[hbm4b:s3+s2] =	stream.indirect_vreg.scatter [tilespmem:s21], [sflag:$0x1], $0x80, v3, vm0, $0xb8;
	[tilespmem:$0x8100] =	vst v63  }
0x48: {  	_ = 	snop  }
0x49: {  	[hbm4b:s7+s2] =	stream.indirect_vreg.scatter [tilespmem:s22], [sflag:$0x1], $0x80, v3, vm0, $0xb8;
	[tilespmem:$0x8100] =	vst v63  }
0x4a: {  	v3 =	vld [tilespmem:$0x8030];
	_ =	sdelay $0x4  }
0x4b: {  	v59 =	vshll.u32 v3, $0x2  }
0x4c: {  	v3 =	vand.u32 $0x7, v3;
	v4 =	vand.u32 $0xFFFFFFE0, v59  }
0x4d: {  	v3 =	vor.u32 v3, v4  }
0x4e: {  	v4 =	vperm.xlane v3, v0;
	_ =	sdelay $0x1  }
0x4f: {  	v4 =	vadd.s32 v1, v4;
	_ =	sdelay $0x1  }
0x50: {  	v3 =	vperm.xlane v3, v2;
	_ =	sdelay $0x1  }
0x51: {  	v3 =	vadd.s32 v1, v3  }
0x52: {  	[hbm4b:s3+s2] =	stream.indirect_vreg.scatter [tilespmem:s23], [sflag:$0x1], $0x80, v4, vm0, $0xb8;
	[tilespmem:$0x8100] =	vst v63  }
0x53: {  	_ = 	snop  }
0x54: {  	[hbm4b:s7+s2] =	stream.indirect_vreg.scatter [tilespmem:s24], [sflag:$0x1], $0x80, v4, vm0, $0xb8;
	[tilespmem:$0x8100] =	vst v63  }
0x55: {  	_ = 	snop  }
0x56: {  	[hbm4b:s3+s2] =	stream.indirect_vreg.scatter [tilespmem:s25], [sflag:$0x1], $0x80, v3, vm0, $0xb8;
	[tilespmem:$0x8100] =	vst v63  }
0x57: {  	_ = 	snop  }
0x58: {  	[hbm4b:s7+s2] =	stream.indirect_vreg.scatter [tilespmem:s26], [sflag:$0x1], $0x80, v3, vm0, $0xb8;
	[tilespmem:$0x8100] =	vst v63  }
0x59: {  	v3 =	vld [tilespmem:$0x8080];
	_ =	sdelay $0x4  }
0x5a: {  	v60 =	vshll.u32 v3, $0x2  }
0x5b: {  	v3 =	vand.u32 $0x7, v3;
	v4 =	vand.u32 $0xFFFFFFE0, v60  }
0x5c: {  	v3 =	vor.u32 v3, v4  }
0x5d: {  	v4 =	vperm.xlane v3, v0;
	_ =	sdelay $0x1  }
0x5e: {  	v4 =	vadd.s32 v1, v4;
	_ =	sdelay $0x1  }
0x5f: {  	v3 =	vperm.xlane v3, v2;
	_ =	sdelay $0x1  }
0x60: {  	v3 =	vadd.s32 v1, v3  }
0x61: {  	[hbm4b:s3+s2] =	stream.indirect_vreg.scatter [tilespmem:s2], [sflag:$0x2], $0x80, v4, vm0, $0xb8;
	[tilespmem:$0x8100] =	vst v63  }
0x62: {  	_ = 	snop  }
0x63: {  	[hbm4b:s7+s2] =	stream.indirect_vreg.scatter [tilespmem:s12], [sflag:$0x2], $0x80, v4, vm0, $0xb8;
	[tilespmem:$0x8100] =	vst v63  }
0x64: {  	_ = 	snop  }
0x65: {  	[hbm4b:s3+s2] =	stream.indirect_vreg.scatter [tilespmem:s13], [sflag:$0x2], $0x80, v3, vm0, $0xb8;
	[tilespmem:$0x8100] =	vst v63  }
0x66: {  	_ = 	snop  }
0x67: {  	[hbm4b:s7+s2] =	stream.indirect_vreg.scatter [tilespmem:s14], [sflag:$0x2], $0x80, v3, vm0, $0xb8;
	[tilespmem:$0x8100] =	vst v63  }
0x68: {  	v3 =	vld [tilespmem:$0x8090];
	_ =	sdelay $0x4  }
0x69: {  	v61 =	vshll.u32 v3, $0x2  }
0x6a: {  	v3 =	vand.u32 $0x7, v3;
	v4 =	vand.u32 $0xFFFFFFE0, v61  }
0x6b: {  	v3 =	vor.u32 v3, v4  }
0x6c: {  	v4 =	vperm.xlane v3, v0;
	_ =	sdelay $0x1  }
0x6d: {  	v4 =	vadd.s32 v1, v4;
	_ =	sdelay $0x1  }
0x6e: {  	v3 =	vperm.xlane v3, v2;
	_ =	sdelay $0x1  }
0x6f: {  	v3 =	vadd.s32 v1, v3  }
0x70: {  	[hbm4b:s3+s2] =	stream.indirect_vreg.scatter [tilespmem:s15], [sflag:$0x2], $0x80, v4, vm0, $0xb8;
	[tilespmem:$0x8100] =	vst v63  }
0x71: {  	_ = 	snop  }
0x72: {  	[hbm4b:s7+s2] =	stream.indirect_vreg.scatter [tilespmem:s16], [sflag:$0x2], $0x80, v4, vm0, $0xb8;
	[tilespmem:$0x8100] =	vst v63  }
0x73: {  	_ = 	snop  }
0x74: {  	[hbm4b:s3+s2] =	stream.indirect_vreg.scatter [tilespmem:s17], [sflag:$0x2], $0x80, v3, vm0, $0xb8;
	[tilespmem:$0x8100] =	vst v63  }
0x75: {  	_ = 	snop  }
0x76: {  	[hbm4b:s7+s2] =	stream.indirect_vreg.scatter [tilespmem:s18], [sflag:$0x2], $0x80, v3, vm0, $0xb8;
	[tilespmem:$0x8100] =	vst v63  }
0x77: {  	v3 =	vld [tilespmem:$0x80A0];
	_ =	sdelay $0x4  }
0x78: {  	v62 =	vshll.u32 v3, $0x2  }
0x79: {  	v3 =	vand.u32 $0x7, v3;
	v4 =	vand.u32 $0xFFFFFFE0, v62  }
0x7a: {  	v3 =	vor.u32 v3, v4  }
0x7b: {  	v4 =	vperm.xlane v3, v0;
	_ =	sdelay $0x1  }
0x7c: {  	v4 =	vadd.s32 v1, v4;
	_ =	sdelay $0x1  }
0x7d: {  	v3 =	vperm.xlane v3, v2;
	_ =	sdelay $0x1  }
0x7e: {  	v3 =	vadd.s32 v1, v3  }
0x7f: {  	[hbm4b:s3+s2] =	stream.indirect_vreg.scatter [tilespmem:s19], [sflag:$0x2], $0x80, v4, vm0, $0xb8;
	[tilespmem:$0x8100] =	vst v63  }
0x80: {  	_ = 	snop  }
0x81: {  	[hbm4b:s7+s2] =	stream.indirect_vreg.scatter [tilespmem:s20], [sflag:$0x2], $0x80, v4, vm0, $0xb8;
	[tilespmem:$0x8100] =	vst v63  }
0x82: {  	_ = 	snop  }
0x83: {  	[hbm4b:s3+s2] =	stream.indirect_vreg.scatter [tilespmem:s21], [sflag:$0x2], $0x80, v3, vm0, $0xb8;
	[tilespmem:$0x8100] =	vst v63  }
0x84: {  	_ = 	snop  }
0x85: {  	[hbm4b:s7+s2] =	stream.indirect_vreg.scatter [tilespmem:s22], [sflag:$0x2], $0x80, v3, vm0, $0xb8;
	[tilespmem:$0x8100] =	vst v63  }
0x86: {  	v3 =	vld [tilespmem:$0x80B0];
	_ =	sdelay $0x4  }
0x87: {  	v63 =	vshll.u32 v3, $0x2  }
0x88: {  	v3 =	vand.u32 $0x7, v3;
	v4 =	vand.u32 $0xFFFFFFE0, v63  }
0x89: {  	v3 =	vor.u32 v3, v4  }
0x8a: {  	v4 =	vperm.xlane v3, v0;
	_ =	sdelay $0x1  }
0x8b: {  	v4 =	vadd.s32 v1, v4;
	_ =	sdelay $0x1  }
0x8c: {  	v3 =	vperm.xlane v3, v2;
	_ =	sdelay $0x1  }
0x8d: {  	v3 =	vadd.s32 v1, v3  }
0x8e: {  	[hbm4b:s3+s2] =	stream.indirect_vreg.scatter [tilespmem:s23], [sflag:$0x2], $0x80, v4, vm0, $0xb8;
	[tilespmem:$0x8100] =	vst v63  }
0x8f: {  	_ = 	snop  }
0x90: {  	[hbm4b:s7+s2] =	stream.indirect_vreg.scatter [tilespmem:s24], [sflag:$0x2], $0x80, v4, vm0, $0xb8;
	[tilespmem:$0x8100] =	vst v63  }
0x91: {  	_ = 	snop  }
0x92: {  	[hbm4b:s3+s2] =	stream.indirect_vreg.scatter [tilespmem:s25], [sflag:$0x2], $0x80, v3, vm0, $0xb8;
	[tilespmem:$0x8100] =	vst v63  }
0x93: {  	_ = 	snop  }
0x94: {  	[hbm4b:s7+s2] =	stream.indirect_vreg.scatter [tilespmem:s26], [sflag:$0x2], $0x80, v3, vm0, $0xb8;
	[tilespmem:$0x8100] =	vst v63  }
0x95: {  	p0 =	sne.s32 s8, $0x1;
	_ =	swait.ge [sflag:s28], $0x8000  }
.Ltmp0:
0x96: {  	[sflag:s28] =	ssyncset.done $0x0;
	(pc) =	sbr.rel @p0 .LBB2_1-.Ltmp0, $4  }
0x97: {  	[sflag:s28] =	ssyncadd.s32 $0xFFFF8000  }
0x98: {  	_ =	swait.ge [sflag:s29], $0x8000  }
0x99: {  	[sflag:s29] =	ssyncset.done $0x0  }
0x9a: {  	s8 =	sadd.s32 $0xFFFFFFFF, s8;
	[sflag:s29] =	ssyncadd.s32 $0xFFFF8000  }
0x9b: {  	_ =	sfence.sel $0x180000  }
0x9c: {  	[bflag:$0x0] =	sbarrier.arrive $0xFFFF  }
0x9d: {  	p0 =	sne.s32 s1, $0x0;
	_ =	strace $0x90000047  }
0x9e: {  	s0 =	sadd.s32 @!p0 $0x100000, s0;
	[bflag:$0x2] =	sbarrier.arrive $0xFFFF  }
0x9f: {  	[sflag:s0] =	ssyncadd.tile.s32 @!p0 $0x1;
	_ =	shalt  }
.Lfunc_end2:
_tile_overlayer_lowered:
.L_overlay_start_2:
0xa0: {  	(tag) =	ssettag $0x2  }
0xa1: {  	s0 =	rddreg [dreg:$0x0];
	s2 =	stileid.u32  }
0xa2: {  	s1 =	rddreg [dreg:$0x1];
	p0 =	sne.s32 s2, $0x0  }
0xa3: {  	s3 =	rddreg [dreg:$0x2];
	[bflag:$0x3] =	sbarrier.arrive $0xFFFF;
	s2 =	simm.s32 @!p0 $0x1C03  }
0xa4: {  	[timem:s3], [sflag:s2] =	dma.local @!p0 [hbm:s0], s1  }
0xa5: {  	s0 =	simm.s32 @!p0 $0x3  }
0xa6: {  	_ =	swait.ge @!p0 [sflag:s0], s1  }
0xa7: {  	s1 =	ssub.s32 @!p0 $0x0, s1;
	[sflag:s0] =	ssyncset.done @!p0 $0x0  }
0xa8: {  	[sflag:s0] =	ssyncadd.s32 @!p0 s1  }
0xa9: {  	[bflag:$0x3] =	sbarrier.arrive $0xFFFF  }
0xaa: {  	_ =	shalt  }

</sc_bundles>
